<compile_context>
chip_gen: v7x
topology: tpu7x:2x2x1
jax: 0.10.2.dev20260603
libtpu: 0.0.44.dev20260713+nightly
codegen_flags: <defaults>
</compile_context>

<pallas_src>
import functools

import jax
import jax.numpy as jnp
from jax import lax
from jax.experimental import pallas as pl
from jax.experimental.pallas import tpu as pltpu
from jax.experimental.pallas import tpu_sc as plsc

D = 128
CHUNK = 128
NBUF = 7

_info = plsc.get_sparse_core_info()
NC = _info.num_cores
NS = _info.num_subcores
NW = NC * NS
B = 100000
NCHT = (B + CHUNK - 1) // CHUNK
NCH_MAX = (NCHT + NW - 1) // NW
LAST = B - CHUNK


def _make_gather():
    mesh = plsc.VectorSubcoreMesh(core_axis_name="c", subcore_axis_name="s")

    @functools.partial(
        pl.kernel,
        mesh=mesh,
        out_type=jax.ShapeDtypeStruct((B, D), jnp.float32),
        scratch_types=[
            pltpu.VMEM((NCH_MAX, CHUNK), jnp.int32),
            pltpu.VMEM((NBUF, CHUNK, D), jnp.float32),
            pltpu.SemaphoreType.DMA,
            pltpu.SemaphoreType.DMA((NBUF,)),
            pltpu.SemaphoreType.DMA((NBUF,)),
        ],
    )
    def gather(idx_hbm, table_hbm, out_hbm, idx_v, rows_v, lsem, gsem, ssem):
        wid = lax.axis_index("s") * NC + lax.axis_index("c")
        jlo = NCHT * wid // NW
        nch = NCHT * (wid + 1) // NW - jlo

        def chunk_off(i):
            return jnp.minimum((jlo + i) * CHUNK, LAST)

        def stage(r, _):
            pltpu.async_copy(
                idx_hbm.at[pl.ds(chunk_off(r), CHUNK)], idx_v.at[r], lsem)
            return 0

        def drain(r, _):
            pltpu.make_async_copy(
                idx_hbm.at[pl.ds(0, CHUNK)], idx_v.at[r], lsem).wait()
            return 0

        def start_gather(s, i):
            pltpu.async_copy(table_hbm.at[idx_v.at[i]], rows_v.at[s], gsem.at[s])

        def wait_gather(s):
            pltpu.make_async_copy(
                table_hbm.at[idx_v.at[0]], rows_v.at[s], gsem.at[s]).wait()

        def start_store(s, i):
            pltpu.async_copy(
                rows_v.at[s], out_hbm.at[pl.ds(chunk_off(i), CHUNK)], ssem.at[s])

        def wait_store(s):
            pltpu.make_async_copy(
                rows_v.at[s], out_hbm.at[pl.ds(0, CHUNK)], ssem.at[s]).wait()

        lax.fori_loop(0, NBUF, stage, 0)
        lax.fori_loop(0, NBUF, drain, 0)
        for b in range(NBUF):
            start_gather(b, b)
        lax.fori_loop(NBUF, nch, stage, 0)
        lax.fori_loop(NBUF, nch, drain, 0)

        def body(i, _):
            s = lax.rem(i, NBUF)
            wait_gather(s)
            start_store(s, i)

            @pl.when(jnp.logical_and(i >= 1, i + NBUF - 1 < nch))
            def _():
                sp = lax.rem(i - 1, NBUF)
                wait_store(sp)
                start_gather(sp, i + NBUF - 1)

            return 0

        lax.fori_loop(0, nch, body, 0)

        for b in range(NBUF):
            wait_store(b)

    return gather


_gather = _make_gather()


def kernel(x, embedding_weight):
    return _gather(x, embedding_weight)

# --- scband reference (transcript-rebuilt; emitter-appended) ---
"""Pipeline reference for scband-node-embedding-73710228734494 (READ-ONLY COPY).

The authoritative reference and input builder live on the scoring server;
editing this copy changes nothing except your own understanding.
"""

import jax, jax.numpy as jnp
import numpy as np

N_NODES = 100000
IN_DIM = 100000
OUT_DIM = 128


def setup_inputs(seed: int = 0) -> dict:
    key = jax.random.key(seed)
    k1, k2 = jax.random.split(key)
    # forward arg: data.x -> integer node ids
    x = jax.random.randint(k1, (N_NODES,), 0, IN_DIM, dtype=jnp.int32)
    # learned parameter: nn.Embedding weight, default init N(0,1)
    embedding_weight = jax.random.normal(k2, (IN_DIM, OUT_DIM), dtype=jnp.float32)
    return {"x": x, "embedding_weight": embedding_weight}


def reference(x, embedding_weight):
    # NodeEmbedding.forward: data.x = self.embedding(data.x)
    # x_as_list=False so output is just the embedded tensor.
    out = jnp.take(embedding_weight, x, axis=0)
    return out

if __name__ == "__main__":
    import jax
    _d = setup_inputs()
    print(jax.jit(kernel)(*tuple(_d.values())))

</pallas_src>

<mosaic_0001>
#map = affine_map<(d0, d1) -> (0)>
#map1 = affine_map<(d0, d1) -> (0, 0)>
module attributes {stable_mosaic.version = 14 : i64} {
  func.func @gather(%arg0: i32, %arg1: i32, %arg2: memref<100000xi32, #tpu.memory_space<hbm>>, %arg3: memref<100000x128xf32, #tpu.memory_space<hbm>>, %arg4: memref<100000x128xf32, #tpu.memory_space<hbm>>, %arg5: memref<25x128xi32, #tpu.memory_space<vmem>>, %arg6: memref<7x128x128xf32, #tpu.memory_space<vmem>>, %arg7: memref<!tpu.dma_semaphore, #tpu.memory_space<semaphore_mem>>, %arg8: memref<7x!tpu.dma_semaphore, #tpu.memory_space<semaphore_mem>>, %arg9: memref<7x!tpu.dma_semaphore, #tpu.memory_space<semaphore_mem>>) attributes {dimension_semantics = [#tpu.dimension_semantics<core_parallel>, #tpu.dimension_semantics<subcore_parallel>], iteration_bounds = array<i64: 2, 16>, scalar_prefetch = 0 : i64, scratch_operands = 5 : i64, tpu.core_type = #tpu.core_type<sc_vector_subcore>, window_params = [{transform_indices = #map}, {transform_indices = #map1}, {transform_indices = #map1}]} {
    %mul3A = arith.constant 2 : i32
    %mul3A_0 = arith.muli %arg1, %mul3A : i32
    %add3A = arith.addi %mul3A_0, %arg0 : i32
    %mul3A_1 = arith.constant 782 : i32
    %mul3A_2 = arith.muli %mul3A_1, %add3A : i32
    %jit3A = arith.constant 32 : i32
    %div3A = arith.divsi %mul3A_2, %jit3A : i32
    %sign3A = arith.constant 0 : i32
    %sign3A_3 = arith.cmpi sgt, %mul3A_2, %sign3A : i32
    %sign3A_4 = arith.extui %sign3A_3 : i1 to i32
    %sign3A_5 = arith.constant 0 : i32
    %sign3A_6 = arith.cmpi slt, %mul3A_2, %sign3A_5 : i32
    %sign3A_7 = arith.extui %sign3A_6 : i1 to i32
    %sign3A_8 = arith.subi %sign3A_4, %sign3A_7 : i32
    %sign3A_9 = arith.constant 0 : i32
    %sign3A_10 = arith.cmpi sgt, %jit3A, %sign3A_9 : i32
    %sign3A_11 = arith.extui %sign3A_10 : i1 to i32
    %sign3A_12 = arith.constant 0 : i32
    %sign3A_13 = arith.cmpi slt, %jit3A, %sign3A_12 : i32
    %sign3A_14 = arith.extui %sign3A_13 : i1 to i32
    %sign3A_15 = arith.subi %sign3A_11, %sign3A_14 : i32
    %ne3A = arith.cmpi ne, %sign3A_8, %sign3A_15 : i32
    %rem3A = arith.remsi %mul3A_2, %jit3A : i32
    %ne3A_16 = arith.constant 0 : i32
    %ne3A_17 = arith.cmpi ne, %rem3A, %ne3A_16 : i32
    %and3A = arith.andi %ne3A, %ne3A_17 : i1
    %sub3A = arith.constant 1 : i32
    %sub3A_18 = arith.subi %div3A, %sub3A : i32
    %select_n3A = arith.select %and3A, %sub3A_18, %div3A : i32
    %add3A_19 = arith.constant 1 : i32
    %add3A_20 = arith.addi %add3A, %add3A_19 : i32
    %mul3A_21 = arith.constant 782 : i32
    %mul3A_22 = arith.muli %mul3A_21, %add3A_20 : i32
    %jit3A_23 = arith.constant 32 : i32
    %div3A_24 = arith.divsi %mul3A_22, %jit3A_23 : i32
    %sign3A_25 = arith.constant 0 : i32
    %sign3A_26 = arith.cmpi sgt, %mul3A_22, %sign3A_25 : i32
    %sign3A_27 = arith.extui %sign3A_26 : i1 to i32
    %sign3A_28 = arith.constant 0 : i32
    %sign3A_29 = arith.cmpi slt, %mul3A_22, %sign3A_28 : i32
    %sign3A_30 = arith.extui %sign3A_29 : i1 to i32
    %sign3A_31 = arith.subi %sign3A_27, %sign3A_30 : i32
    %sign3A_32 = arith.constant 0 : i32
    %sign3A_33 = arith.cmpi sgt, %jit3A_23, %sign3A_32 : i32
    %sign3A_34 = arith.extui %sign3A_33 : i1 to i32
    %sign3A_35 = arith.constant 0 : i32
    %sign3A_36 = arith.cmpi slt, %jit3A_23, %sign3A_35 : i32
    %sign3A_37 = arith.extui %sign3A_36 : i1 to i32
    %sign3A_38 = arith.subi %sign3A_34, %sign3A_37 : i32
    %ne3A_39 = arith.cmpi ne, %sign3A_31, %sign3A_38 : i32
    %rem3A_40 = arith.remsi %mul3A_22, %jit3A_23 : i32
    %ne3A_41 = arith.constant 0 : i32
    %ne3A_42 = arith.cmpi ne, %rem3A_40, %ne3A_41 : i32
    %and3A_43 = arith.andi %ne3A_39, %ne3A_42 : i1
    %sub3A_44 = arith.constant 1 : i32
    %sub3A_45 = arith.subi %div3A_24, %sub3A_44 : i32
    %select_n3A_46 = arith.select %and3A_43, %sub3A_45, %div3A_24 : i32
    %sub3A_47 = arith.subi %select_n3A_46, %select_n3A : i32
    %scan3A = arith.constant 0 : i32
    %scan3A_48 = arith.constant 0 : i32
    %scan3A_49 = arith.constant 7 : i32
    %scan3A_50 = arith.addi %scan3A_48, %scan3A_49 : i32
    %scan3A_51 = arith.constant 1 : i32
    %scan3A_52 = scf.for %scan3A_325 = %scan3A_48 to %scan3A_50 step %scan3A_51 iter_args(%scan3A_326 = %scan3A) -> (i32)  : i32 {
      %add3A_327 = arith.addi %select_n3A, %scan3A_325 : i32
      %mul3A_328 = arith.constant 128 : i32
      %mul3A_329 = arith.muli %add3A_327, %mul3A_328 : i32
      %min3A = arith.constant 99872 : i32
      %min3A_330 = arith.minsi %mul3A_329, %min3A : i32
      %dma_start3A_331 = arith.constant 0 : i32
      %dma_start3A_332 = tpu.memref_slice %arg5[%scan3A_325, %dma_start3A_331] : memref<25x128xi32, #tpu.memory_space<vmem>> -> memref<1x128xi32, #tpu.memory_space<vmem>>
      %dma_start3A_333 = tpu.memref_squeeze %dma_start3A_332 : memref<1x128xi32, #tpu.memory_space<vmem>> -> memref<128xi32, #tpu.memory_space<vmem>>
      %dma_start3A_334 = tpu.memref_slice %arg2[%min3A_330] : memref<100000xi32, #tpu.memory_space<hbm>> -> memref<128xi32, #tpu.memory_space<hbm>>
      %dma_start3A_335 = arith.constant 0 : i32
      %dma_start3A_336 = tpu.memref_slice %arg5[%scan3A_325, %dma_start3A_335] : memref<25x128xi32, #tpu.memory_space<vmem>> -> memref<1x128xi32, #tpu.memory_space<vmem>>
      %dma_start3A_337 = tpu.memref_squeeze %dma_start3A_336 : memref<1x128xi32, #tpu.memory_space<vmem>> -> memref<128xi32, #tpu.memory_space<vmem>>
      %dma_start3A_338 = tpu.memref_slice %arg2[%min3A_330] : memref<100000xi32, #tpu.memory_space<hbm>> -> memref<128xi32, #tpu.memory_space<hbm>>
      tpu.enqueue_dma source(%dma_start3A_338 : memref<128xi32, #tpu.memory_space<hbm>>) target(%dma_start3A_337 : memref<128xi32, #tpu.memory_space<vmem>>) target_semaphore(%arg7 : memref<!tpu.dma_semaphore, #tpu.memory_space<semaphore_mem>>)
      %scan3A_339 = arith.constant 0 : i32
      scf.yield %scan3A_339 : i32
    }
    %scan3A_53 = arith.constant 7 : i32
    %scan3A_54 = arith.constant 0 : i32
    %scan3A_55 = arith.constant 0 : i32
    %scan3A_56 = arith.constant 7 : i32
    %scan3A_57 = arith.addi %scan3A_55, %scan3A_56 : i32
    %scan3A_58 = arith.constant 1 : i32
    %scan3A_59 = scf.for %scan3A_325 = %scan3A_55 to %scan3A_57 step %scan3A_58 iter_args(%scan3A_326 = %scan3A_54) -> (i32)  : i32 {
      %dma_wait3A_327 = arith.constant 0 : i32
      %dma_wait3A_328 = tpu.memref_slice %arg5[%scan3A_325, %dma_wait3A_327] : memref<25x128xi32, #tpu.memory_space<vmem>> -> memref<1x128xi32, #tpu.memory_space<vmem>>
      %dma_wait3A_329 = tpu.memref_squeeze %dma_wait3A_328 : memref<1x128xi32, #tpu.memory_space<vmem>> -> memref<128xi32, #tpu.memory_space<vmem>>
      %dma_wait3A_330 = arith.constant 0 : i32
      %dma_wait3A_331 = tpu.memref_slice %arg2[%dma_wait3A_330] : memref<100000xi32, #tpu.memory_space<hbm>> -> memref<128xi32, #tpu.memory_space<hbm>>
      %dma_wait3A_332 = arith.constant 0 : i32
      %dma_wait3A_333 = tpu.memref_slice %arg5[%scan3A_325, %dma_wait3A_332] : memref<25x128xi32, #tpu.memory_space<vmem>> -> memref<1x128xi32, #tpu.memory_space<vmem>>
      %dma_wait3A_334 = tpu.memref_squeeze %dma_wait3A_333 : memref<1x128xi32, #tpu.memory_space<vmem>> -> memref<128xi32, #tpu.memory_space<vmem>>
      %dma_wait3A_335 = arith.constant 0 : i32
      %dma_wait3A_336 = tpu.memref_slice %arg2[%dma_wait3A_335] : memref<100000xi32, #tpu.memory_space<hbm>> -> memref<128xi32, #tpu.memory_space<hbm>>
      tpu.wait_dma2 semaphore(%arg7 : memref<!tpu.dma_semaphore, #tpu.memory_space<semaphore_mem>>) src(%dma_wait3A_336 : memref<128xi32, #tpu.memory_space<hbm>>) dst(%dma_wait3A_334 : memref<128xi32, #tpu.memory_space<vmem>>)
      %scan3A_337 = arith.constant 0 : i32
      scf.yield %scan3A_337 : i32
    }
    %scan3A_60 = arith.constant 7 : i32
    %dma_start3A = arith.constant 0 : i32
    %dma_start3A_61 = arith.constant 0 : i32
    %dma_start3A_62 = arith.constant 0 : i32
    %dma_start3A_63 = arith.constant 0 : i32
    %dma_start3A_64 = arith.constant 0 : i32
    %dma_start3A_65 = tpu.memref_slice %arg6[%dma_start3A_61, %dma_start3A_63, %dma_start3A_64] : memref<7x128x128xf32, #tpu.memory_space<vmem>> -> memref<1x128x128xf32, #tpu.memory_space<vmem>>
    %dma_start3A_66 = tpu.memref_squeeze %dma_start3A_65 : memref<1x128x128xf32, #tpu.memory_space<vmem>> -> memref<128x128xf32, #tpu.memory_space<vmem>>
    %dma_start3A_67 = arith.constant 0 : i32
    %dma_start3A_68 = tpu.memref_slice %arg5[%dma_start3A, %dma_start3A_67] : memref<25x128xi32, #tpu.memory_space<vmem>> -> memref<1x128xi32, #tpu.memory_space<vmem>>
    %dma_start3A_69 = tpu.memref_squeeze %dma_start3A_68 : memref<1x128xi32, #tpu.memory_space<vmem>> -> memref<128xi32, #tpu.memory_space<vmem>>
    %dma_start3A_70 = arith.constant 0 : i32
    %dma_start3A_71 = arith.constant 0 : i32
    %dma_start3A_72 = tpu.memref_slice %arg3[%dma_start3A_70, %dma_start3A_71] : memref<100000x128xf32, #tpu.memory_space<hbm>> -> memref<100000x128xf32, #tpu.memory_space<hbm>>
    %dma_start3A_73 = tpu.memref_slice %arg8[%dma_start3A_62] : memref<7x!tpu.dma_semaphore, #tpu.memory_space<semaphore_mem>> -> memref<1x!tpu.dma_semaphore, #tpu.memory_space<semaphore_mem>>
    %dma_start3A_74 = tpu.memref_squeeze %dma_start3A_73 : memref<1x!tpu.dma_semaphore, #tpu.memory_space<semaphore_mem>> -> memref<!tpu.dma_semaphore, #tpu.memory_space<semaphore_mem>>
    tpu.enqueue_indirect_dma source(%dma_start3A_72 : memref<100000x128xf32, #tpu.memory_space<hbm>>) target(%dma_start3A_66 : memref<128x128xf32, #tpu.memory_space<vmem>>) offsets(%dma_start3A_69 : memref<128xi32, #tpu.memory_space<vmem>>) semaphore(%dma_start3A_74 : memref<!tpu.dma_semaphore, #tpu.memory_space<semaphore_mem>>)
    %dma_start3A_75 = arith.constant 1 : i32
    %dma_start3A_76 = arith.constant 1 : i32
    %dma_start3A_77 = arith.constant 1 : i32
    %dma_start3A_78 = arith.constant 0 : i32
    %dma_start3A_79 = arith.constant 0 : i32
    %dma_start3A_80 = tpu.memref_slice %arg6[%dma_start3A_76, %dma_start3A_78, %dma_start3A_79] : memref<7x128x128xf32, #tpu.memory_space<vmem>> -> memref<1x128x128xf32, #tpu.memory_space<vmem>>
    %dma_start3A_81 = tpu.memref_squeeze %dma_start3A_80 : memref<1x128x128xf32, #tpu.memory_space<vmem>> -> memref<128x128xf32, #tpu.memory_space<vmem>>
    %dma_start3A_82 = arith.constant 0 : i32
    %dma_start3A_83 = tpu.memref_slice %arg5[%dma_start3A_75, %dma_start3A_82] : memref<25x128xi32, #tpu.memory_space<vmem>> -> memref<1x128xi32, #tpu.memory_space<vmem>>
    %dma_start3A_84 = tpu.memref_squeeze %dma_start3A_83 : memref<1x128xi32, #tpu.memory_space<vmem>> -> memref<128xi32, #tpu.memory_space<vmem>>
    %dma_start3A_85 = arith.constant 0 : i32
    %dma_start3A_86 = arith.constant 0 : i32
    %dma_start3A_87 = tpu.memref_slice %arg3[%dma_start3A_85, %dma_start3A_86] : memref<100000x128xf32, #tpu.memory_space<hbm>> -> memref<100000x128xf32, #tpu.memory_space<hbm>>
    %dma_start3A_88 = tpu.memref_slice %arg8[%dma_start3A_77] : memref<7x!tpu.dma_semaphore, #tpu.memory_space<semaphore_mem>> -> memref<1x!tpu.dma_semaphore, #tpu.memory_space<semaphore_mem>>
    %dma_start3A_89 = tpu.memref_squeeze %dma_start3A_88 : memref<1x!tpu.dma_semaphore, #tpu.memory_space<semaphore_mem>> -> memref<!tpu.dma_semaphore, #tpu.memory_space<semaphore_mem>>
    tpu.enqueue_indirect_dma source(%dma_start3A_87 : memref<100000x128xf32, #tpu.memory_space<hbm>>) target(%dma_start3A_81 : memref<128x128xf32, #tpu.memory_space<vmem>>) offsets(%dma_start3A_84 : memref<128xi32, #tpu.memory_space<vmem>>) semaphore(%dma_start3A_89 : memref<!tpu.dma_semaphore, #tpu.memory_space<semaphore_mem>>)
    %dma_start3A_90 = arith.constant 2 : i32
    %dma_start3A_91 = arith.constant 2 : i32
    %dma_start3A_92 = arith.constant 2 : i32
    %dma_start3A_93 = arith.constant 0 : i32
    %dma_start3A_94 = arith.constant 0 : i32
    %dma_start3A_95 = tpu.memref_slice %arg6[%dma_start3A_91, %dma_start3A_93, %dma_start3A_94] : memref<7x128x128xf32, #tpu.memory_space<vmem>> -> memref<1x128x128xf32, #tpu.memory_space<vmem>>
    %dma_start3A_96 = tpu.memref_squeeze %dma_start3A_95 : memref<1x128x128xf32, #tpu.memory_space<vmem>> -> memref<128x128xf32, #tpu.memory_space<vmem>>
    %dma_start3A_97 = arith.constant 0 : i32
    %dma_start3A_98 = tpu.memref_slice %arg5[%dma_start3A_90, %dma_start3A_97] : memref<25x128xi32, #tpu.memory_space<vmem>> -> memref<1x128xi32, #tpu.memory_space<vmem>>
    %dma_start3A_99 = tpu.memref_squeeze %dma_start3A_98 : memref<1x128xi32, #tpu.memory_space<vmem>> -> memref<128xi32, #tpu.memory_space<vmem>>
    %dma_start3A_100 = arith.constant 0 : i32
    %dma_start3A_101 = arith.constant 0 : i32
    %dma_start3A_102 = tpu.memref_slice %arg3[%dma_start3A_100, %dma_start3A_101] : memref<100000x128xf32, #tpu.memory_space<hbm>> -> memref<100000x128xf32, #tpu.memory_space<hbm>>
    %dma_start3A_103 = tpu.memref_slice %arg8[%dma_start3A_92] : memref<7x!tpu.dma_semaphore, #tpu.memory_space<semaphore_mem>> -> memref<1x!tpu.dma_semaphore, #tpu.memory_space<semaphore_mem>>
    %dma_start3A_104 = tpu.memref_squeeze %dma_start3A_103 : memref<1x!tpu.dma_semaphore, #tpu.memory_space<semaphore_mem>> -> memref<!tpu.dma_semaphore, #tpu.memory_space<semaphore_mem>>
    tpu.enqueue_indirect_dma source(%dma_start3A_102 : memref<100000x128xf32, #tpu.memory_space<hbm>>) target(%dma_start3A_96 : memref<128x128xf32, #tpu.memory_space<vmem>>) offsets(%dma_start3A_99 : memref<128xi32, #tpu.memory_space<vmem>>) semaphore(%dma_start3A_104 : memref<!tpu.dma_semaphore, #tpu.memory_space<semaphore_mem>>)
    %dma_start3A_105 = arith.constant 3 : i32
    %dma_start3A_106 = arith.constant 3 : i32
    %dma_start3A_107 = arith.constant 3 : i32
    %dma_start3A_108 = arith.constant 0 : i32
    %dma_start3A_109 = arith.constant 0 : i32
    %dma_start3A_110 = tpu.memref_slice %arg6[%dma_start3A_106, %dma_start3A_108, %dma_start3A_109] : memref<7x128x128xf32, #tpu.memory_space<vmem>> -> memref<1x128x128xf32, #tpu.memory_space<vmem>>
    %dma_start3A_111 = tpu.memref_squeeze %dma_start3A_110 : memref<1x128x128xf32, #tpu.memory_space<vmem>> -> memref<128x128xf32, #tpu.memory_space<vmem>>
    %dma_start3A_112 = arith.constant 0 : i32
    %dma_start3A_113 = tpu.memref_slice %arg5[%dma_start3A_105, %dma_start3A_112] : memref<25x128xi32, #tpu.memory_space<vmem>> -> memref<1x128xi32, #tpu.memory_space<vmem>>
    %dma_start3A_114 = tpu.memref_squeeze %dma_start3A_113 : memref<1x128xi32, #tpu.memory_space<vmem>> -> memref<128xi32, #tpu.memory_space<vmem>>
    %dma_start3A_115 = arith.constant 0 : i32
    %dma_start3A_116 = arith.constant 0 : i32
    %dma_start3A_117 = tpu.memref_slice %arg3[%dma_start3A_115, %dma_start3A_116] : memref<100000x128xf32, #tpu.memory_space<hbm>> -> memref<100000x128xf32, #tpu.memory_space<hbm>>
    %dma_start3A_118 = tpu.memref_slice %arg8[%dma_start3A_107] : memref<7x!tpu.dma_semaphore, #tpu.memory_space<semaphore_mem>> -> memref<1x!tpu.dma_semaphore, #tpu.memory_space<semaphore_mem>>
    %dma_start3A_119 = tpu.memref_squeeze %dma_start3A_118 : memref<1x!tpu.dma_semaphore, #tpu.memory_space<semaphore_mem>> -> memref<!tpu.dma_semaphore, #tpu.memory_space<semaphore_mem>>
    tpu.enqueue_indirect_dma source(%dma_start3A_117 : memref<100000x128xf32, #tpu.memory_space<hbm>>) target(%dma_start3A_111 : memref<128x128xf32, #tpu.memory_space<vmem>>) offsets(%dma_start3A_114 : memref<128xi32, #tpu.memory_space<vmem>>) semaphore(%dma_start3A_119 : memref<!tpu.dma_semaphore, #tpu.memory_space<semaphore_mem>>)
    %dma_start3A_120 = arith.constant 4 : i32
    %dma_start3A_121 = arith.constant 4 : i32
    %dma_start3A_122 = arith.constant 4 : i32
    %dma_start3A_123 = arith.constant 0 : i32
    %dma_start3A_124 = arith.constant 0 : i32
    %dma_start3A_125 = tpu.memref_slice %arg6[%dma_start3A_121, %dma_start3A_123, %dma_start3A_124] : memref<7x128x128xf32, #tpu.memory_space<vmem>> -> memref<1x128x128xf32, #tpu.memory_space<vmem>>
    %dma_start3A_126 = tpu.memref_squeeze %dma_start3A_125 : memref<1x128x128xf32, #tpu.memory_space<vmem>> -> memref<128x128xf32, #tpu.memory_space<vmem>>
    %dma_start3A_127 = arith.constant 0 : i32
    %dma_start3A_128 = tpu.memref_slice %arg5[%dma_start3A_120, %dma_start3A_127] : memref<25x128xi32, #tpu.memory_space<vmem>> -> memref<1x128xi32, #tpu.memory_space<vmem>>
    %dma_start3A_129 = tpu.memref_squeeze %dma_start3A_128 : memref<1x128xi32, #tpu.memory_space<vmem>> -> memref<128xi32, #tpu.memory_space<vmem>>
    %dma_start3A_130 = arith.constant 0 : i32
    %dma_start3A_131 = arith.constant 0 : i32
    %dma_start3A_132 = tpu.memref_slice %arg3[%dma_start3A_130, %dma_start3A_131] : memref<100000x128xf32, #tpu.memory_space<hbm>> -> memref<100000x128xf32, #tpu.memory_space<hbm>>
    %dma_start3A_133 = tpu.memref_slice %arg8[%dma_start3A_122] : memref<7x!tpu.dma_semaphore, #tpu.memory_space<semaphore_mem>> -> memref<1x!tpu.dma_semaphore, #tpu.memory_space<semaphore_mem>>
    %dma_start3A_134 = tpu.memref_squeeze %dma_start3A_133 : memref<1x!tpu.dma_semaphore, #tpu.memory_space<semaphore_mem>> -> memref<!tpu.dma_semaphore, #tpu.memory_space<semaphore_mem>>
    tpu.enqueue_indirect_dma source(%dma_start3A_132 : memref<100000x128xf32, #tpu.memory_space<hbm>>) target(%dma_start3A_126 : memref<128x128xf32, #tpu.memory_space<vmem>>) offsets(%dma_start3A_129 : memref<128xi32, #tpu.memory_space<vmem>>) semaphore(%dma_start3A_134 : memref<!tpu.dma_semaphore, #tpu.memory_space<semaphore_mem>>)
    %dma_start3A_135 = arith.constant 5 : i32
    %dma_start3A_136 = arith.constant 5 : i32
    %dma_start3A_137 = arith.constant 5 : i32
    %dma_start3A_138 = arith.constant 0 : i32
    %dma_start3A_139 = arith.constant 0 : i32
    %dma_start3A_140 = tpu.memref_slice %arg6[%dma_start3A_136, %dma_start3A_138, %dma_start3A_139] : memref<7x128x128xf32, #tpu.memory_space<vmem>> -> memref<1x128x128xf32, #tpu.memory_space<vmem>>
    %dma_start3A_141 = tpu.memref_squeeze %dma_start3A_140 : memref<1x128x128xf32, #tpu.memory_space<vmem>> -> memref<128x128xf32, #tpu.memory_space<vmem>>
    %dma_start3A_142 = arith.constant 0 : i32
    %dma_start3A_143 = tpu.memref_slice %arg5[%dma_start3A_135, %dma_start3A_142] : memref<25x128xi32, #tpu.memory_space<vmem>> -> memref<1x128xi32, #tpu.memory_space<vmem>>
    %dma_start3A_144 = tpu.memref_squeeze %dma_start3A_143 : memref<1x128xi32, #tpu.memory_space<vmem>> -> memref<128xi32, #tpu.memory_space<vmem>>
    %dma_start3A_145 = arith.constant 0 : i32
    %dma_start3A_146 = arith.constant 0 : i32
    %dma_start3A_147 = tpu.memref_slice %arg3[%dma_start3A_145, %dma_start3A_146] : memref<100000x128xf32, #tpu.memory_space<hbm>> -> memref<100000x128xf32, #tpu.memory_space<hbm>>
    %dma_start3A_148 = tpu.memref_slice %arg8[%dma_start3A_137] : memref<7x!tpu.dma_semaphore, #tpu.memory_space<semaphore_mem>> -> memref<1x!tpu.dma_semaphore, #tpu.memory_space<semaphore_mem>>
    %dma_start3A_149 = tpu.memref_squeeze %dma_start3A_148 : memref<1x!tpu.dma_semaphore, #tpu.memory_space<semaphore_mem>> -> memref<!tpu.dma_semaphore, #tpu.memory_space<semaphore_mem>>
    tpu.enqueue_indirect_dma source(%dma_start3A_147 : memref<100000x128xf32, #tpu.memory_space<hbm>>) target(%dma_start3A_141 : memref<128x128xf32, #tpu.memory_space<vmem>>) offsets(%dma_start3A_144 : memref<128xi32, #tpu.memory_space<vmem>>) semaphore(%dma_start3A_149 : memref<!tpu.dma_semaphore, #tpu.memory_space<semaphore_mem>>)
    %dma_start3A_150 = arith.constant 6 : i32
    %dma_start3A_151 = arith.constant 6 : i32
    %dma_start3A_152 = arith.constant 6 : i32
    %dma_start3A_153 = arith.constant 0 : i32
    %dma_start3A_154 = arith.constant 0 : i32
    %dma_start3A_155 = tpu.memref_slice %arg6[%dma_start3A_151, %dma_start3A_153, %dma_start3A_154] : memref<7x128x128xf32, #tpu.memory_space<vmem>> -> memref<1x128x128xf32, #tpu.memory_space<vmem>>
    %dma_start3A_156 = tpu.memref_squeeze %dma_start3A_155 : memref<1x128x128xf32, #tpu.memory_space<vmem>> -> memref<128x128xf32, #tpu.memory_space<vmem>>
    %dma_start3A_157 = arith.constant 0 : i32
    %dma_start3A_158 = tpu.memref_slice %arg5[%dma_start3A_150, %dma_start3A_157] : memref<25x128xi32, #tpu.memory_space<vmem>> -> memref<1x128xi32, #tpu.memory_space<vmem>>
    %dma_start3A_159 = tpu.memref_squeeze %dma_start3A_158 : memref<1x128xi32, #tpu.memory_space<vmem>> -> memref<128xi32, #tpu.memory_space<vmem>>
    %dma_start3A_160 = arith.constant 0 : i32
    %dma_start3A_161 = arith.constant 0 : i32
    %dma_start3A_162 = tpu.memref_slice %arg3[%dma_start3A_160, %dma_start3A_161] : memref<100000x128xf32, #tpu.memory_space<hbm>> -> memref<100000x128xf32, #tpu.memory_space<hbm>>
    %dma_start3A_163 = tpu.memref_slice %arg8[%dma_start3A_152] : memref<7x!tpu.dma_semaphore, #tpu.memory_space<semaphore_mem>> -> memref<1x!tpu.dma_semaphore, #tpu.memory_space<semaphore_mem>>
    %dma_start3A_164 = tpu.memref_squeeze %dma_start3A_163 : memref<1x!tpu.dma_semaphore, #tpu.memory_space<semaphore_mem>> -> memref<!tpu.dma_semaphore, #tpu.memory_space<semaphore_mem>>
    tpu.enqueue_indirect_dma source(%dma_start3A_162 : memref<100000x128xf32, #tpu.memory_space<hbm>>) target(%dma_start3A_156 : memref<128x128xf32, #tpu.memory_space<vmem>>) offsets(%dma_start3A_159 : memref<128xi32, #tpu.memory_space<vmem>>) semaphore(%dma_start3A_164 : memref<!tpu.dma_semaphore, #tpu.memory_space<semaphore_mem>>)
    %while3A = arith.constant 7 : i32
    %while3A_165 = arith.constant 0 : i32
    %while3A_166 = arith.subi %sub3A_47, %while3A : i32
    %while3A_167 = arith.addi %while3A, %while3A_166 : i32
    %while3A_168 = arith.constant 1 : i32
    %while3A_169 = arith.divsi %while3A_166, %while3A_168 : i32
    %while3A_170 = arith.muli %while3A_169, %while3A_168 : i32
    %while3A_171 = arith.addi %while3A, %while3A_170 : i32
    %while3A_172 = arith.constant 1 : i32
    %while3A_173 = scf.for %while3A_325 = %while3A to %while3A_171 step %while3A_172 iter_args(%while3A_326 = %while3A_165) -> (i32)  : i32 {
      %add3A_327 = arith.addi %select_n3A, %while3A_325 : i32
      %mul3A_328 = arith.constant 128 : i32
      %mul3A_329 = arith.muli %add3A_327, %mul3A_328 : i32
      %min3A = arith.constant 99872 : i32
      %min3A_330 = arith.minsi %mul3A_329, %min3A : i32
      %dma_start3A_331 = arith.constant 0 : i32
      %dma_start3A_332 = tpu.memref_slice %arg5[%while3A_325, %dma_start3A_331] : memref<25x128xi32, #tpu.memory_space<vmem>> -> memref<1x128xi32, #tpu.memory_space<vmem>>
      %dma_start3A_333 = tpu.memref_squeeze %dma_start3A_332 : memref<1x128xi32, #tpu.memory_space<vmem>> -> memref<128xi32, #tpu.memory_space<vmem>>
      %dma_start3A_334 = tpu.memref_slice %arg2[%min3A_330] : memref<100000xi32, #tpu.memory_space<hbm>> -> memref<128xi32, #tpu.memory_space<hbm>>
      %dma_start3A_335 = arith.constant 0 : i32
      %dma_start3A_336 = tpu.memref_slice %arg5[%while3A_325, %dma_start3A_335] : memref<25x128xi32, #tpu.memory_space<vmem>> -> memref<1x128xi32, #tpu.memory_space<vmem>>
      %dma_start3A_337 = tpu.memref_squeeze %dma_start3A_336 : memref<1x128xi32, #tpu.memory_space<vmem>> -> memref<128xi32, #tpu.memory_space<vmem>>
      %dma_start3A_338 = tpu.memref_slice %arg2[%min3A_330] : memref<100000xi32, #tpu.memory_space<hbm>> -> memref<128xi32, #tpu.memory_space<hbm>>
      tpu.enqueue_dma source(%dma_start3A_338 : memref<128xi32, #tpu.memory_space<hbm>>) target(%dma_start3A_337 : memref<128xi32, #tpu.memory_space<vmem>>) target_semaphore(%arg7 : memref<!tpu.dma_semaphore, #tpu.memory_space<semaphore_mem>>)
      %while3A_339 = arith.constant 0 : i32
      scf.yield %while3A_339 : i32
    }
    %while3A_174 = arith.constant 1 : i32
    %while3A_175 = scf.for %while3A_325 = %while3A_171 to %while3A_167 step %while3A_174 iter_args(%while3A_326 = %while3A_173) -> (i32)  : i32 {
      %add3A_327 = arith.addi %select_n3A, %while3A_325 : i32
      %mul3A_328 = arith.constant 128 : i32
      %mul3A_329 = arith.muli %add3A_327, %mul3A_328 : i32
      %min3A = arith.constant 99872 : i32
      %min3A_330 = arith.minsi %mul3A_329, %min3A : i32
      %dma_start3A_331 = arith.constant 0 : i32
      %dma_start3A_332 = tpu.memref_slice %arg5[%while3A_325, %dma_start3A_331] : memref<25x128xi32, #tpu.memory_space<vmem>> -> memref<1x128xi32, #tpu.memory_space<vmem>>
      %dma_start3A_333 = tpu.memref_squeeze %dma_start3A_332 : memref<1x128xi32, #tpu.memory_space<vmem>> -> memref<128xi32, #tpu.memory_space<vmem>>
      %dma_start3A_334 = tpu.memref_slice %arg2[%min3A_330] : memref<100000xi32, #tpu.memory_space<hbm>> -> memref<128xi32, #tpu.memory_space<hbm>>
      %dma_start3A_335 = arith.constant 0 : i32
      %dma_start3A_336 = tpu.memref_slice %arg5[%while3A_325, %dma_start3A_335] : memref<25x128xi32, #tpu.memory_space<vmem>> -> memref<1x128xi32, #tpu.memory_space<vmem>>
      %dma_start3A_337 = tpu.memref_squeeze %dma_start3A_336 : memref<1x128xi32, #tpu.memory_space<vmem>> -> memref<128xi32, #tpu.memory_space<vmem>>
      %dma_start3A_338 = tpu.memref_slice %arg2[%min3A_330] : memref<100000xi32, #tpu.memory_space<hbm>> -> memref<128xi32, #tpu.memory_space<hbm>>
      tpu.enqueue_dma source(%dma_start3A_338 : memref<128xi32, #tpu.memory_space<hbm>>) target(%dma_start3A_337 : memref<128xi32, #tpu.memory_space<vmem>>) target_semaphore(%arg7 : memref<!tpu.dma_semaphore, #tpu.memory_space<semaphore_mem>>)
      %while3A_339 = arith.constant 0 : i32
      scf.yield %while3A_339 : i32
    }
    %while3A_176 = arith.constant 7 : i32
    %while3A_177 = arith.constant 0 : i32
    %while3A_178 = arith.subi %sub3A_47, %while3A_176 : i32
    %while3A_179 = arith.addi %while3A_176, %while3A_178 : i32
    %while3A_180 = arith.constant 1 : i32
    %while3A_181 = arith.divsi %while3A_178, %while3A_180 : i32
    %while3A_182 = arith.muli %while3A_181, %while3A_180 : i32
    %while3A_183 = arith.addi %while3A_176, %while3A_182 : i32
    %while3A_184 = arith.constant 1 : i32
    %while3A_185 = scf.for %while3A_325 = %while3A_176 to %while3A_183 step %while3A_184 iter_args(%while3A_326 = %while3A_177) -> (i32)  : i32 {
      %dma_wait3A_327 = arith.constant 0 : i32
      %dma_wait3A_328 = tpu.memref_slice %arg5[%while3A_325, %dma_wait3A_327] : memref<25x128xi32, #tpu.memory_space<vmem>> -> memref<1x128xi32, #tpu.memory_space<vmem>>
      %dma_wait3A_329 = tpu.memref_squeeze %dma_wait3A_328 : memref<1x128xi32, #tpu.memory_space<vmem>> -> memref<128xi32, #tpu.memory_space<vmem>>
      %dma_wait3A_330 = arith.constant 0 : i32
      %dma_wait3A_331 = tpu.memref_slice %arg2[%dma_wait3A_330] : memref<100000xi32, #tpu.memory_space<hbm>> -> memref<128xi32, #tpu.memory_space<hbm>>
      %dma_wait3A_332 = arith.constant 0 : i32
      %dma_wait3A_333 = tpu.memref_slice %arg5[%while3A_325, %dma_wait3A_332] : memref<25x128xi32, #tpu.memory_space<vmem>> -> memref<1x128xi32, #tpu.memory_space<vmem>>
      %dma_wait3A_334 = tpu.memref_squeeze %dma_wait3A_333 : memref<1x128xi32, #tpu.memory_space<vmem>> -> memref<128xi32, #tpu.memory_space<vmem>>
      %dma_wait3A_335 = arith.constant 0 : i32
      %dma_wait3A_336 = tpu.memref_slice %arg2[%dma_wait3A_335] : memref<100000xi32, #tpu.memory_space<hbm>> -> memref<128xi32, #tpu.memory_space<hbm>>
      tpu.wait_dma2 semaphore(%arg7 : memref<!tpu.dma_semaphore, #tpu.memory_space<semaphore_mem>>) src(%dma_wait3A_336 : memref<128xi32, #tpu.memory_space<hbm>>) dst(%dma_wait3A_334 : memref<128xi32, #tpu.memory_space<vmem>>)
      %while3A_337 = arith.constant 0 : i32
      scf.yield %while3A_337 : i32
    }
    %while3A_186 = arith.constant 1 : i32
    %while3A_187 = scf.for %while3A_325 = %while3A_183 to %while3A_179 step %while3A_186 iter_args(%while3A_326 = %while3A_185) -> (i32)  : i32 {
      %dma_wait3A_327 = arith.constant 0 : i32
      %dma_wait3A_328 = tpu.memref_slice %arg5[%while3A_325, %dma_wait3A_327] : memref<25x128xi32, #tpu.memory_space<vmem>> -> memref<1x128xi32, #tpu.memory_space<vmem>>
      %dma_wait3A_329 = tpu.memref_squeeze %dma_wait3A_328 : memref<1x128xi32, #tpu.memory_space<vmem>> -> memref<128xi32, #tpu.memory_space<vmem>>
      %dma_wait3A_330 = arith.constant 0 : i32
      %dma_wait3A_331 = tpu.memref_slice %arg2[%dma_wait3A_330] : memref<100000xi32, #tpu.memory_space<hbm>> -> memref<128xi32, #tpu.memory_space<hbm>>
      %dma_wait3A_332 = arith.constant 0 : i32
      %dma_wait3A_333 = tpu.memref_slice %arg5[%while3A_325, %dma_wait3A_332] : memref<25x128xi32, #tpu.memory_space<vmem>> -> memref<1x128xi32, #tpu.memory_space<vmem>>
      %dma_wait3A_334 = tpu.memref_squeeze %dma_wait3A_333 : memref<1x128xi32, #tpu.memory_space<vmem>> -> memref<128xi32, #tpu.memory_space<vmem>>
      %dma_wait3A_335 = arith.constant 0 : i32
      %dma_wait3A_336 = tpu.memref_slice %arg2[%dma_wait3A_335] : memref<100000xi32, #tpu.memory_space<hbm>> -> memref<128xi32, #tpu.memory_space<hbm>>
      tpu.wait_dma2 semaphore(%arg7 : memref<!tpu.dma_semaphore, #tpu.memory_space<semaphore_mem>>) src(%dma_wait3A_336 : memref<128xi32, #tpu.memory_space<hbm>>) dst(%dma_wait3A_334 : memref<128xi32, #tpu.memory_space<vmem>>)
      %while3A_337 = arith.constant 0 : i32
      scf.yield %while3A_337 : i32
    }
    %while3A_188 = arith.constant 0 : i32
    %while3A_189 = arith.constant 0 : i32
    %while3A_190 = arith.subi %sub3A_47, %while3A_188 : i32
    %while3A_191 = arith.addi %while3A_188, %while3A_190 : i32
    %while3A_192 = arith.constant 1 : i32
    %while3A_193 = arith.divsi %while3A_190, %while3A_192 : i32
    %while3A_194 = arith.muli %while3A_193, %while3A_192 : i32
    %while3A_195 = arith.addi %while3A_188, %while3A_194 : i32
    %while3A_196 = arith.constant 1 : i32
    %while3A_197 = scf.for %while3A_325 = %while3A_188 to %while3A_195 step %while3A_196 iter_args(%while3A_326 = %while3A_189) -> (i32)  : i32 {
      %rem3A_327 = arith.constant 7 : i32
      %rem3A_328 = arith.remsi %while3A_325, %rem3A_327 : i32
      %dma_wait3A_329 = arith.constant 0 : i32
      %dma_wait3A_330 = arith.constant 0 : i32
      %dma_wait3A_331 = arith.constant 0 : i32
      %dma_wait3A_332 = tpu.memref_slice %arg6[%rem3A_328, %dma_wait3A_330, %dma_wait3A_331] : memref<7x128x128xf32, #tpu.memory_space<vmem>> -> memref<1x128x128xf32, #tpu.memory_space<vmem>>
      %dma_wait3A_333 = tpu.memref_squeeze %dma_wait3A_332 : memref<1x128x128xf32, #tpu.memory_space<vmem>> -> memref<128x128xf32, #tpu.memory_space<vmem>>
      %dma_wait3A_334 = arith.constant 0 : i32
      %dma_wait3A_335 = tpu.memref_slice %arg5[%dma_wait3A_329, %dma_wait3A_334] : memref<25x128xi32, #tpu.memory_space<vmem>> -> memref<1x128xi32, #tpu.memory_space<vmem>>
      %dma_wait3A_336 = tpu.memref_squeeze %dma_wait3A_335 : memref<1x128xi32, #tpu.memory_space<vmem>> -> memref<128xi32, #tpu.memory_space<vmem>>
      %dma_wait3A_337 = arith.constant 0 : i32
      %dma_wait3A_338 = arith.constant 0 : i32
      %dma_wait3A_339 = tpu.memref_slice %arg3[%dma_wait3A_337, %dma_wait3A_338] : memref<100000x128xf32, #tpu.memory_space<hbm>> -> memref<100000x128xf32, #tpu.memory_space<hbm>>
      %dma_wait3A_340 = tpu.memref_slice %arg8[%rem3A_328] : memref<7x!tpu.dma_semaphore, #tpu.memory_space<semaphore_mem>> -> memref<1x!tpu.dma_semaphore, #tpu.memory_space<semaphore_mem>>
      %dma_wait3A_341 = tpu.memref_squeeze %dma_wait3A_340 : memref<1x!tpu.dma_semaphore, #tpu.memory_space<semaphore_mem>> -> memref<!tpu.dma_semaphore, #tpu.memory_space<semaphore_mem>>
      tpu.wait_indirect_dma semaphore(%dma_wait3A_341 : memref<!tpu.dma_semaphore, #tpu.memory_space<semaphore_mem>>) src(%dma_wait3A_339 : memref<100000x128xf32, #tpu.memory_space<hbm>>) dst(%dma_wait3A_333 : memref<128x128xf32, #tpu.memory_space<vmem>>)
      %add3A_342 = arith.addi %select_n3A, %while3A_325 : i32
      %mul3A_343 = arith.constant 128 : i32
      %mul3A_344 = arith.muli %add3A_342, %mul3A_343 : i32
      %min3A = arith.constant 99872 : i32
      %min3A_345 = arith.minsi %mul3A_344, %min3A : i32
      %dma_start3A_346 = arith.constant 0 : i32
      %dma_start3A_347 = arith.constant 0 : i32
      %dma_start3A_348 = tpu.memref_slice %arg6[%rem3A_328, %dma_start3A_346, %dma_start3A_347] : memref<7x128x128xf32, #tpu.memory_space<vmem>> -> memref<1x128x128xf32, #tpu.memory_space<vmem>>
      %dma_start3A_349 = tpu.memref_squeeze %dma_start3A_348 : memref<1x128x128xf32, #tpu.memory_space<vmem>> -> memref<128x128xf32, #tpu.memory_space<vmem>>
      %dma_start3A_350 = arith.constant 0 : i32
      %dma_start3A_351 = tpu.memref_slice %arg4[%min3A_345, %dma_start3A_350] : memref<100000x128xf32, #tpu.memory_space<hbm>> -> memref<128x128xf32, #tpu.memory_space<hbm>>
      %dma_start3A_352 = tpu.memref_slice %arg9[%rem3A_328] : memref<7x!tpu.dma_semaphore, #tpu.memory_space<semaphore_mem>> -> memref<1x!tpu.dma_semaphore, #tpu.memory_space<semaphore_mem>>
      %dma_start3A_353 = tpu.memref_squeeze %dma_start3A_352 : memref<1x!tpu.dma_semaphore, #tpu.memory_space<semaphore_mem>> -> memref<!tpu.dma_semaphore, #tpu.memory_space<semaphore_mem>>
      %dma_start3A_354 = arith.constant 0 : i32
      %dma_start3A_355 = tpu.memref_slice %arg4[%min3A_345, %dma_start3A_354] : memref<100000x128xf32, #tpu.memory_space<hbm>> -> memref<128x128xf32, #tpu.memory_space<hbm>>
      %dma_start3A_356 = arith.constant 0 : i32
      %dma_start3A_357 = arith.constant 0 : i32
      %dma_start3A_358 = tpu.memref_slice %arg6[%rem3A_328, %dma_start3A_356, %dma_start3A_357] : memref<7x128x128xf32, #tpu.memory_space<vmem>> -> memref<1x128x128xf32, #tpu.memory_space<vmem>>
      %dma_start3A_359 = tpu.memref_squeeze %dma_start3A_358 : memref<1x128x128xf32, #tpu.memory_space<vmem>> -> memref<128x128xf32, #tpu.memory_space<vmem>>
      tpu.enqueue_dma source(%dma_start3A_359 : memref<128x128xf32, #tpu.memory_space<vmem>>) target(%dma_start3A_355 : memref<128x128xf32, #tpu.memory_space<hbm>>) target_semaphore(%dma_start3A_353 : memref<!tpu.dma_semaphore, #tpu.memory_space<semaphore_mem>>)
      %ge3A = arith.constant 1 : i32
      %ge3A_360 = arith.cmpi sge, %while3A_325, %ge3A : i32
      %add3A_361 = arith.constant 7 : i32
      %add3A_362 = arith.addi %while3A_325, %add3A_361 : i32
      %sub3A_363 = arith.constant 1 : i32
      %sub3A_364 = arith.subi %add3A_362, %sub3A_363 : i32
      %lt3A = arith.cmpi slt, %sub3A_364, %sub3A_47 : i32
      %and3A_365 = arith.andi %ge3A_360, %lt3A : i1
      %convert_element_type3A = arith.extui %and3A_365 : i1 to i32
      %cond3A = arith.constant 0 : i32
      %cond3A_366 = arith.cmpi ne, %convert_element_type3A, %cond3A : i32
      scf.if %cond3A_366 {
        %sub3A_368 = arith.constant 1 : i32
        %sub3A_369 = arith.subi %while3A_325, %sub3A_368 : i32
        %rem3A_370 = arith.constant 7 : i32
        %rem3A_371 = arith.remsi %sub3A_369, %rem3A_370 : i32
        %dma_wait3A_372 = arith.constant 0 : i32
        %dma_wait3A_373 = arith.constant 0 : i32
        %dma_wait3A_374 = tpu.memref_slice %arg6[%rem3A_371, %dma_wait3A_372, %dma_wait3A_373] : memref<7x128x128xf32, #tpu.memory_space<vmem>> -> memref<1x128x128xf32, #tpu.memory_space<vmem>>
        %dma_wait3A_375 = tpu.memref_squeeze %dma_wait3A_374 : memref<1x128x128xf32, #tpu.memory_space<vmem>> -> memref<128x128xf32, #tpu.memory_space<vmem>>
        %dma_wait3A_376 = arith.constant 0 : i32
        %dma_wait3A_377 = arith.constant 0 : i32
        %dma_wait3A_378 = tpu.memref_slice %arg4[%dma_wait3A_376, %dma_wait3A_377] : memref<100000x128xf32, #tpu.memory_space<hbm>> -> memref<128x128xf32, #tpu.memory_space<hbm>>
        %dma_wait3A_379 = tpu.memref_slice %arg9[%rem3A_371] : memref<7x!tpu.dma_semaphore, #tpu.memory_space<semaphore_mem>> -> memref<1x!tpu.dma_semaphore, #tpu.memory_space<semaphore_mem>>
        %dma_wait3A_380 = tpu.memref_squeeze %dma_wait3A_379 : memref<1x!tpu.dma_semaphore, #tpu.memory_space<semaphore_mem>> -> memref<!tpu.dma_semaphore, #tpu.memory_space<semaphore_mem>>
        %dma_wait3A_381 = arith.constant 0 : i32
        %dma_wait3A_382 = arith.constant 0 : i32
        %dma_wait3A_383 = tpu.memref_slice %arg4[%dma_wait3A_381, %dma_wait3A_382] : memref<100000x128xf32, #tpu.memory_space<hbm>> -> memref<128x128xf32, #tpu.memory_space<hbm>>
        %dma_wait3A_384 = arith.constant 0 : i32
        %dma_wait3A_385 = arith.constant 0 : i32
        %dma_wait3A_386 = tpu.memref_slice %arg6[%rem3A_371, %dma_wait3A_384, %dma_wait3A_385] : memref<7x128x128xf32, #tpu.memory_space<vmem>> -> memref<1x128x128xf32, #tpu.memory_space<vmem>>
        %dma_wait3A_387 = tpu.memref_squeeze %dma_wait3A_386 : memref<1x128x128xf32, #tpu.memory_space<vmem>> -> memref<128x128xf32, #tpu.memory_space<vmem>>
        tpu.wait_dma2 semaphore(%dma_wait3A_380 : memref<!tpu.dma_semaphore, #tpu.memory_space<semaphore_mem>>) src(%dma_wait3A_387 : memref<128x128xf32, #tpu.memory_space<vmem>>) dst(%dma_wait3A_383 : memref<128x128xf32, #tpu.memory_space<hbm>>)
        %add3A_388 = arith.constant 7 : i32
        %add3A_389 = arith.addi %while3A_325, %add3A_388 : i32
        %sub3A_390 = arith.constant 1 : i32
        %sub3A_391 = arith.subi %add3A_389, %sub3A_390 : i32
        %dma_start3A_392 = arith.constant 0 : i32
        %dma_start3A_393 = arith.constant 0 : i32
        %dma_start3A_394 = tpu.memref_slice %arg6[%rem3A_371, %dma_start3A_392, %dma_start3A_393] : memref<7x128x128xf32, #tpu.memory_space<vmem>> -> memref<1x128x128xf32, #tpu.memory_space<vmem>>
        %dma_start3A_395 = tpu.memref_squeeze %dma_start3A_394 : memref<1x128x128xf32, #tpu.memory_space<vmem>> -> memref<128x128xf32, #tpu.memory_space<vmem>>
        %dma_start3A_396 = arith.constant 0 : i32
        %dma_start3A_397 = tpu.memref_slice %arg5[%sub3A_391, %dma_start3A_396] : memref<25x128xi32, #tpu.memory_space<vmem>> -> memref<1x128xi32, #tpu.memory_space<vmem>>
        %dma_start3A_398 = tpu.memref_squeeze %dma_start3A_397 : memref<1x128xi32, #tpu.memory_space<vmem>> -> memref<128xi32, #tpu.memory_space<vmem>>
        %dma_start3A_399 = arith.constant 0 : i32
        %dma_start3A_400 = arith.constant 0 : i32
        %dma_start3A_401 = tpu.memref_slice %arg3[%dma_start3A_399, %dma_start3A_400] : memref<100000x128xf32, #tpu.memory_space<hbm>> -> memref<100000x128xf32, #tpu.memory_space<hbm>>
        %dma_start3A_402 = tpu.memref_slice %arg8[%rem3A_371] : memref<7x!tpu.dma_semaphore, #tpu.memory_space<semaphore_mem>> -> memref<1x!tpu.dma_semaphore, #tpu.memory_space<semaphore_mem>>
        %dma_start3A_403 = tpu.memref_squeeze %dma_start3A_402 : memref<1x!tpu.dma_semaphore, #tpu.memory_space<semaphore_mem>> -> memref<!tpu.dma_semaphore, #tpu.memory_space<semaphore_mem>>
        tpu.enqueue_indirect_dma source(%dma_start3A_401 : memref<100000x128xf32, #tpu.memory_space<hbm>>) target(%dma_start3A_395 : memref<128x128xf32, #tpu.memory_space<vmem>>) offsets(%dma_start3A_398 : memref<128xi32, #tpu.memory_space<vmem>>) semaphore(%dma_start3A_403 : memref<!tpu.dma_semaphore, #tpu.memory_space<semaphore_mem>>)
      } else {
      }
      %while3A_367 = arith.constant 0 : i32
      scf.yield %while3A_367 : i32
    }
    %while3A_198 = arith.constant 1 : i32
    %while3A_199 = scf.for %while3A_325 = %while3A_195 to %while3A_191 step %while3A_198 iter_args(%while3A_326 = %while3A_197) -> (i32)  : i32 {
      %rem3A_327 = arith.constant 7 : i32
      %rem3A_328 = arith.remsi %while3A_325, %rem3A_327 : i32
      %dma_wait3A_329 = arith.constant 0 : i32
      %dma_wait3A_330 = arith.constant 0 : i32
      %dma_wait3A_331 = arith.constant 0 : i32
      %dma_wait3A_332 = tpu.memref_slice %arg6[%rem3A_328, %dma_wait3A_330, %dma_wait3A_331] : memref<7x128x128xf32, #tpu.memory_space<vmem>> -> memref<1x128x128xf32, #tpu.memory_space<vmem>>
      %dma_wait3A_333 = tpu.memref_squeeze %dma_wait3A_332 : memref<1x128x128xf32, #tpu.memory_space<vmem>> -> memref<128x128xf32, #tpu.memory_space<vmem>>
      %dma_wait3A_334 = arith.constant 0 : i32
      %dma_wait3A_335 = tpu.memref_slice %arg5[%dma_wait3A_329, %dma_wait3A_334] : memref<25x128xi32, #tpu.memory_space<vmem>> -> memref<1x128xi32, #tpu.memory_space<vmem>>
      %dma_wait3A_336 = tpu.memref_squeeze %dma_wait3A_335 : memref<1x128xi32, #tpu.memory_space<vmem>> -> memref<128xi32, #tpu.memory_space<vmem>>
      %dma_wait3A_337 = arith.constant 0 : i32
      %dma_wait3A_338 = arith.constant 0 : i32
      %dma_wait3A_339 = tpu.memref_slice %arg3[%dma_wait3A_337, %dma_wait3A_338] : memref<100000x128xf32, #tpu.memory_space<hbm>> -> memref<100000x128xf32, #tpu.memory_space<hbm>>
      %dma_wait3A_340 = tpu.memref_slice %arg8[%rem3A_328] : memref<7x!tpu.dma_semaphore, #tpu.memory_space<semaphore_mem>> -> memref<1x!tpu.dma_semaphore, #tpu.memory_space<semaphore_mem>>
      %dma_wait3A_341 = tpu.memref_squeeze %dma_wait3A_340 : memref<1x!tpu.dma_semaphore, #tpu.memory_space<semaphore_mem>> -> memref<!tpu.dma_semaphore, #tpu.memory_space<semaphore_mem>>
      tpu.wait_indirect_dma semaphore(%dma_wait3A_341 : memref<!tpu.dma_semaphore, #tpu.memory_space<semaphore_mem>>) src(%dma_wait3A_339 : memref<100000x128xf32, #tpu.memory_space<hbm>>) dst(%dma_wait3A_333 : memref<128x128xf32, #tpu.memory_space<vmem>>)
      %add3A_342 = arith.addi %select_n3A, %while3A_325 : i32
      %mul3A_343 = arith.constant 128 : i32
      %mul3A_344 = arith.muli %add3A_342, %mul3A_343 : i32
      %min3A = arith.constant 99872 : i32
      %min3A_345 = arith.minsi %mul3A_344, %min3A : i32
      %dma_start3A_346 = arith.constant 0 : i32
      %dma_start3A_347 = arith.constant 0 : i32
      %dma_start3A_348 = tpu.memref_slice %arg6[%rem3A_328, %dma_start3A_346, %dma_start3A_347] : memref<7x128x128xf32, #tpu.memory_space<vmem>> -> memref<1x128x128xf32, #tpu.memory_space<vmem>>
      %dma_start3A_349 = tpu.memref_squeeze %dma_start3A_348 : memref<1x128x128xf32, #tpu.memory_space<vmem>> -> memref<128x128xf32, #tpu.memory_space<vmem>>
      %dma_start3A_350 = arith.constant 0 : i32
      %dma_start3A_351 = tpu.memref_slice %arg4[%min3A_345, %dma_start3A_350] : memref<100000x128xf32, #tpu.memory_space<hbm>> -> memref<128x128xf32, #tpu.memory_space<hbm>>
      %dma_start3A_352 = tpu.memref_slice %arg9[%rem3A_328] : memref<7x!tpu.dma_semaphore, #tpu.memory_space<semaphore_mem>> -> memref<1x!tpu.dma_semaphore, #tpu.memory_space<semaphore_mem>>
      %dma_start3A_353 = tpu.memref_squeeze %dma_start3A_352 : memref<1x!tpu.dma_semaphore, #tpu.memory_space<semaphore_mem>> -> memref<!tpu.dma_semaphore, #tpu.memory_space<semaphore_mem>>
      %dma_start3A_354 = arith.constant 0 : i32
      %dma_start3A_355 = tpu.memref_slice %arg4[%min3A_345, %dma_start3A_354] : memref<100000x128xf32, #tpu.memory_space<hbm>> -> memref<128x128xf32, #tpu.memory_space<hbm>>
      %dma_start3A_356 = arith.constant 0 : i32
      %dma_start3A_357 = arith.constant 0 : i32
      %dma_start3A_358 = tpu.memref_slice %arg6[%rem3A_328, %dma_start3A_356, %dma_start3A_357] : memref<7x128x128xf32, #tpu.memory_space<vmem>> -> memref<1x128x128xf32, #tpu.memory_space<vmem>>
      %dma_start3A_359 = tpu.memref_squeeze %dma_start3A_358 : memref<1x128x128xf32, #tpu.memory_space<vmem>> -> memref<128x128xf32, #tpu.memory_space<vmem>>
      tpu.enqueue_dma source(%dma_start3A_359 : memref<128x128xf32, #tpu.memory_space<vmem>>) target(%dma_start3A_355 : memref<128x128xf32, #tpu.memory_space<hbm>>) target_semaphore(%dma_start3A_353 : memref<!tpu.dma_semaphore, #tpu.memory_space<semaphore_mem>>)
      %ge3A = arith.constant 1 : i32
      %ge3A_360 = arith.cmpi sge, %while3A_325, %ge3A : i32
      %add3A_361 = arith.constant 7 : i32
      %add3A_362 = arith.addi %while3A_325, %add3A_361 : i32
      %sub3A_363 = arith.constant 1 : i32
      %sub3A_364 = arith.subi %add3A_362, %sub3A_363 : i32
      %lt3A = arith.cmpi slt, %sub3A_364, %sub3A_47 : i32
      %and3A_365 = arith.andi %ge3A_360, %lt3A : i1
      %convert_element_type3A = arith.extui %and3A_365 : i1 to i32
      %cond3A = arith.constant 0 : i32
      %cond3A_366 = arith.cmpi ne, %convert_element_type3A, %cond3A : i32
      scf.if %cond3A_366 {
        %sub3A_368 = arith.constant 1 : i32
        %sub3A_369 = arith.subi %while3A_325, %sub3A_368 : i32
        %rem3A_370 = arith.constant 7 : i32
        %rem3A_371 = arith.remsi %sub3A_369, %rem3A_370 : i32
        %dma_wait3A_372 = arith.constant 0 : i32
        %dma_wait3A_373 = arith.constant 0 : i32
        %dma_wait3A_374 = tpu.memref_slice %arg6[%rem3A_371, %dma_wait3A_372, %dma_wait3A_373] : memref<7x128x128xf32, #tpu.memory_space<vmem>> -> memref<1x128x128xf32, #tpu.memory_space<vmem>>
        %dma_wait3A_375 = tpu.memref_squeeze %dma_wait3A_374 : memref<1x128x128xf32, #tpu.memory_space<vmem>> -> memref<128x128xf32, #tpu.memory_space<vmem>>
        %dma_wait3A_376 = arith.constant 0 : i32
        %dma_wait3A_377 = arith.constant 0 : i32
        %dma_wait3A_378 = tpu.memref_slice %arg4[%dma_wait3A_376, %dma_wait3A_377] : memref<100000x128xf32, #tpu.memory_space<hbm>> -> memref<128x128xf32, #tpu.memory_space<hbm>>
        %dma_wait3A_379 = tpu.memref_slice %arg9[%rem3A_371] : memref<7x!tpu.dma_semaphore, #tpu.memory_space<semaphore_mem>> -> memref<1x!tpu.dma_semaphore, #tpu.memory_space<semaphore_mem>>
        %dma_wait3A_380 = tpu.memref_squeeze %dma_wait3A_379 : memref<1x!tpu.dma_semaphore, #tpu.memory_space<semaphore_mem>> -> memref<!tpu.dma_semaphore, #tpu.memory_space<semaphore_mem>>
        %dma_wait3A_381 = arith.constant 0 : i32
        %dma_wait3A_382 = arith.constant 0 : i32
        %dma_wait3A_383 = tpu.memref_slice %arg4[%dma_wait3A_381, %dma_wait3A_382] : memref<100000x128xf32, #tpu.memory_space<hbm>> -> memref<128x128xf32, #tpu.memory_space<hbm>>
        %dma_wait3A_384 = arith.constant 0 : i32
        %dma_wait3A_385 = arith.constant 0 : i32
        %dma_wait3A_386 = tpu.memref_slice %arg6[%rem3A_371, %dma_wait3A_384, %dma_wait3A_385] : memref<7x128x128xf32, #tpu.memory_space<vmem>> -> memref<1x128x128xf32, #tpu.memory_space<vmem>>
        %dma_wait3A_387 = tpu.memref_squeeze %dma_wait3A_386 : memref<1x128x128xf32, #tpu.memory_space<vmem>> -> memref<128x128xf32, #tpu.memory_space<vmem>>
        tpu.wait_dma2 semaphore(%dma_wait3A_380 : memref<!tpu.dma_semaphore, #tpu.memory_space<semaphore_mem>>) src(%dma_wait3A_387 : memref<128x128xf32, #tpu.memory_space<vmem>>) dst(%dma_wait3A_383 : memref<128x128xf32, #tpu.memory_space<hbm>>)
        %add3A_388 = arith.constant 7 : i32
        %add3A_389 = arith.addi %while3A_325, %add3A_388 : i32
        %sub3A_390 = arith.constant 1 : i32
        %sub3A_391 = arith.subi %add3A_389, %sub3A_390 : i32
        %dma_start3A_392 = arith.constant 0 : i32
        %dma_start3A_393 = arith.constant 0 : i32
        %dma_start3A_394 = tpu.memref_slice %arg6[%rem3A_371, %dma_start3A_392, %dma_start3A_393] : memref<7x128x128xf32, #tpu.memory_space<vmem>> -> memref<1x128x128xf32, #tpu.memory_space<vmem>>
        %dma_start3A_395 = tpu.memref_squeeze %dma_start3A_394 : memref<1x128x128xf32, #tpu.memory_space<vmem>> -> memref<128x128xf32, #tpu.memory_space<vmem>>
        %dma_start3A_396 = arith.constant 0 : i32
        %dma_start3A_397 = tpu.memref_slice %arg5[%sub3A_391, %dma_start3A_396] : memref<25x128xi32, #tpu.memory_space<vmem>> -> memref<1x128xi32, #tpu.memory_space<vmem>>
        %dma_start3A_398 = tpu.memref_squeeze %dma_start3A_397 : memref<1x128xi32, #tpu.memory_space<vmem>> -> memref<128xi32, #tpu.memory_space<vmem>>
        %dma_start3A_399 = arith.constant 0 : i32
        %dma_start3A_400 = arith.constant 0 : i32
        %dma_start3A_401 = tpu.memref_slice %arg3[%dma_start3A_399, %dma_start3A_400] : memref<100000x128xf32, #tpu.memory_space<hbm>> -> memref<100000x128xf32, #tpu.memory_space<hbm>>
        %dma_start3A_402 = tpu.memref_slice %arg8[%rem3A_371] : memref<7x!tpu.dma_semaphore, #tpu.memory_space<semaphore_mem>> -> memref<1x!tpu.dma_semaphore, #tpu.memory_space<semaphore_mem>>
        %dma_start3A_403 = tpu.memref_squeeze %dma_start3A_402 : memref<1x!tpu.dma_semaphore, #tpu.memory_space<semaphore_mem>> -> memref<!tpu.dma_semaphore, #tpu.memory_space<semaphore_mem>>
        tpu.enqueue_indirect_dma source(%dma_start3A_401 : memref<100000x128xf32, #tpu.memory_space<hbm>>) target(%dma_start3A_395 : memref<128x128xf32, #tpu.memory_space<vmem>>) offsets(%dma_start3A_398 : memref<128xi32, #tpu.memory_space<vmem>>) semaphore(%dma_start3A_403 : memref<!tpu.dma_semaphore, #tpu.memory_space<semaphore_mem>>)
      } else {
      }
      %while3A_367 = arith.constant 0 : i32
      scf.yield %while3A_367 : i32
    }
    %dma_wait3A = arith.constant 0 : i32
    %dma_wait3A_200 = arith.constant 0 : i32
    %dma_wait3A_201 = arith.constant 0 : i32
    %dma_wait3A_202 = arith.constant 0 : i32
    %dma_wait3A_203 = tpu.memref_slice %arg6[%dma_wait3A, %dma_wait3A_201, %dma_wait3A_202] : memref<7x128x128xf32, #tpu.memory_space<vmem>> -> memref<1x128x128xf32, #tpu.memory_space<vmem>>
    %dma_wait3A_204 = tpu.memref_squeeze %dma_wait3A_203 : memref<1x128x128xf32, #tpu.memory_space<vmem>> -> memref<128x128xf32, #tpu.memory_space<vmem>>
    %dma_wait3A_205 = arith.constant 0 : i32
    %dma_wait3A_206 = arith.constant 0 : i32
    %dma_wait3A_207 = tpu.memref_slice %arg4[%dma_wait3A_205, %dma_wait3A_206] : memref<100000x128xf32, #tpu.memory_space<hbm>> -> memref<128x128xf32, #tpu.memory_space<hbm>>
    %dma_wait3A_208 = tpu.memref_slice %arg9[%dma_wait3A_200] : memref<7x!tpu.dma_semaphore, #tpu.memory_space<semaphore_mem>> -> memref<1x!tpu.dma_semaphore, #tpu.memory_space<semaphore_mem>>
    %dma_wait3A_209 = tpu.memref_squeeze %dma_wait3A_208 : memref<1x!tpu.dma_semaphore, #tpu.memory_space<semaphore_mem>> -> memref<!tpu.dma_semaphore, #tpu.memory_space<semaphore_mem>>
    %dma_wait3A_210 = arith.constant 0 : i32
    %dma_wait3A_211 = arith.constant 0 : i32
    %dma_wait3A_212 = tpu.memref_slice %arg4[%dma_wait3A_210, %dma_wait3A_211] : memref<100000x128xf32, #tpu.memory_space<hbm>> -> memref<128x128xf32, #tpu.memory_space<hbm>>
    %dma_wait3A_213 = arith.constant 0 : i32
    %dma_wait3A_214 = arith.constant 0 : i32
    %dma_wait3A_215 = tpu.memref_slice %arg6[%dma_wait3A, %dma_wait3A_213, %dma_wait3A_214] : memref<7x128x128xf32, #tpu.memory_space<vmem>> -> memref<1x128x128xf32, #tpu.memory_space<vmem>>
    %dma_wait3A_216 = tpu.memref_squeeze %dma_wait3A_215 : memref<1x128x128xf32, #tpu.memory_space<vmem>> -> memref<128x128xf32, #tpu.memory_space<vmem>>
    tpu.wait_dma2 semaphore(%dma_wait3A_209 : memref<!tpu.dma_semaphore, #tpu.memory_space<semaphore_mem>>) src(%dma_wait3A_216 : memref<128x128xf32, #tpu.memory_space<vmem>>) dst(%dma_wait3A_212 : memref<128x128xf32, #tpu.memory_space<hbm>>)
    %dma_wait3A_217 = arith.constant 1 : i32
    %dma_wait3A_218 = arith.constant 1 : i32
    %dma_wait3A_219 = arith.constant 0 : i32
    %dma_wait3A_220 = arith.constant 0 : i32
    %dma_wait3A_221 = tpu.memref_slice %arg6[%dma_wait3A_217, %dma_wait3A_219, %dma_wait3A_220] : memref<7x128x128xf32, #tpu.memory_space<vmem>> -> memref<1x128x128xf32, #tpu.memory_space<vmem>>
    %dma_wait3A_222 = tpu.memref_squeeze %dma_wait3A_221 : memref<1x128x128xf32, #tpu.memory_space<vmem>> -> memref<128x128xf32, #tpu.memory_space<vmem>>
    %dma_wait3A_223 = arith.constant 0 : i32
    %dma_wait3A_224 = arith.constant 0 : i32
    %dma_wait3A_225 = tpu.memref_slice %arg4[%dma_wait3A_223, %dma_wait3A_224] : memref<100000x128xf32, #tpu.memory_space<hbm>> -> memref<128x128xf32, #tpu.memory_space<hbm>>
    %dma_wait3A_226 = tpu.memref_slice %arg9[%dma_wait3A_218] : memref<7x!tpu.dma_semaphore, #tpu.memory_space<semaphore_mem>> -> memref<1x!tpu.dma_semaphore, #tpu.memory_space<semaphore_mem>>
    %dma_wait3A_227 = tpu.memref_squeeze %dma_wait3A_226 : memref<1x!tpu.dma_semaphore, #tpu.memory_space<semaphore_mem>> -> memref<!tpu.dma_semaphore, #tpu.memory_space<semaphore_mem>>
    %dma_wait3A_228 = arith.constant 0 : i32
    %dma_wait3A_229 = arith.constant 0 : i32
    %dma_wait3A_230 = tpu.memref_slice %arg4[%dma_wait3A_228, %dma_wait3A_229] : memref<100000x128xf32, #tpu.memory_space<hbm>> -> memref<128x128xf32, #tpu.memory_space<hbm>>
    %dma_wait3A_231 = arith.constant 0 : i32
    %dma_wait3A_232 = arith.constant 0 : i32
    %dma_wait3A_233 = tpu.memref_slice %arg6[%dma_wait3A_217, %dma_wait3A_231, %dma_wait3A_232] : memref<7x128x128xf32, #tpu.memory_space<vmem>> -> memref<1x128x128xf32, #tpu.memory_space<vmem>>
    %dma_wait3A_234 = tpu.memref_squeeze %dma_wait3A_233 : memref<1x128x128xf32, #tpu.memory_space<vmem>> -> memref<128x128xf32, #tpu.memory_space<vmem>>
    tpu.wait_dma2 semaphore(%dma_wait3A_227 : memref<!tpu.dma_semaphore, #tpu.memory_space<semaphore_mem>>) src(%dma_wait3A_234 : memref<128x128xf32, #tpu.memory_space<vmem>>) dst(%dma_wait3A_230 : memref<128x128xf32, #tpu.memory_space<hbm>>)
    %dma_wait3A_235 = arith.constant 2 : i32
    %dma_wait3A_236 = arith.constant 2 : i32
    %dma_wait3A_237 = arith.constant 0 : i32
    %dma_wait3A_238 = arith.constant 0 : i32
    %dma_wait3A_239 = tpu.memref_slice %arg6[%dma_wait3A_235, %dma_wait3A_237, %dma_wait3A_238] : memref<7x128x128xf32, #tpu.memory_space<vmem>> -> memref<1x128x128xf32, #tpu.memory_space<vmem>>
    %dma_wait3A_240 = tpu.memref_squeeze %dma_wait3A_239 : memref<1x128x128xf32, #tpu.memory_space<vmem>> -> memref<128x128xf32, #tpu.memory_space<vmem>>
    %dma_wait3A_241 = arith.constant 0 : i32
    %dma_wait3A_242 = arith.constant 0 : i32
    %dma_wait3A_243 = tpu.memref_slice %arg4[%dma_wait3A_241, %dma_wait3A_242] : memref<100000x128xf32, #tpu.memory_space<hbm>> -> memref<128x128xf32, #tpu.memory_space<hbm>>
    %dma_wait3A_244 = tpu.memref_slice %arg9[%dma_wait3A_236] : memref<7x!tpu.dma_semaphore, #tpu.memory_space<semaphore_mem>> -> memref<1x!tpu.dma_semaphore, #tpu.memory_space<semaphore_mem>>
    %dma_wait3A_245 = tpu.memref_squeeze %dma_wait3A_244 : memref<1x!tpu.dma_semaphore, #tpu.memory_space<semaphore_mem>> -> memref<!tpu.dma_semaphore, #tpu.memory_space<semaphore_mem>>
    %dma_wait3A_246 = arith.constant 0 : i32
    %dma_wait3A_247 = arith.constant 0 : i32
    %dma_wait3A_248 = tpu.memref_slice %arg4[%dma_wait3A_246, %dma_wait3A_247] : memref<100000x128xf32, #tpu.memory_space<hbm>> -> memref<128x128xf32, #tpu.memory_space<hbm>>
    %dma_wait3A_249 = arith.constant 0 : i32
    %dma_wait3A_250 = arith.constant 0 : i32
    %dma_wait3A_251 = tpu.memref_slice %arg6[%dma_wait3A_235, %dma_wait3A_249, %dma_wait3A_250] : memref<7x128x128xf32, #tpu.memory_space<vmem>> -> memref<1x128x128xf32, #tpu.memory_space<vmem>>
    %dma_wait3A_252 = tpu.memref_squeeze %dma_wait3A_251 : memref<1x128x128xf32, #tpu.memory_space<vmem>> -> memref<128x128xf32, #tpu.memory_space<vmem>>
    tpu.wait_dma2 semaphore(%dma_wait3A_245 : memref<!tpu.dma_semaphore, #tpu.memory_space<semaphore_mem>>) src(%dma_wait3A_252 : memref<128x128xf32, #tpu.memory_space<vmem>>) dst(%dma_wait3A_248 : memref<128x128xf32, #tpu.memory_space<hbm>>)
    %dma_wait3A_253 = arith.constant 3 : i32
    %dma_wait3A_254 = arith.constant 3 : i32
    %dma_wait3A_255 = arith.constant 0 : i32
    %dma_wait3A_256 = arith.constant 0 : i32
    %dma_wait3A_257 = tpu.memref_slice %arg6[%dma_wait3A_253, %dma_wait3A_255, %dma_wait3A_256] : memref<7x128x128xf32, #tpu.memory_space<vmem>> -> memref<1x128x128xf32, #tpu.memory_space<vmem>>
    %dma_wait3A_258 = tpu.memref_squeeze %dma_wait3A_257 : memref<1x128x128xf32, #tpu.memory_space<vmem>> -> memref<128x128xf32, #tpu.memory_space<vmem>>
    %dma_wait3A_259 = arith.constant 0 : i32
    %dma_wait3A_260 = arith.constant 0 : i32
    %dma_wait3A_261 = tpu.memref_slice %arg4[%dma_wait3A_259, %dma_wait3A_260] : memref<100000x128xf32, #tpu.memory_space<hbm>> -> memref<128x128xf32, #tpu.memory_space<hbm>>
    %dma_wait3A_262 = tpu.memref_slice %arg9[%dma_wait3A_254] : memref<7x!tpu.dma_semaphore, #tpu.memory_space<semaphore_mem>> -> memref<1x!tpu.dma_semaphore, #tpu.memory_space<semaphore_mem>>
    %dma_wait3A_263 = tpu.memref_squeeze %dma_wait3A_262 : memref<1x!tpu.dma_semaphore, #tpu.memory_space<semaphore_mem>> -> memref<!tpu.dma_semaphore, #tpu.memory_space<semaphore_mem>>
    %dma_wait3A_264 = arith.constant 0 : i32
    %dma_wait3A_265 = arith.constant 0 : i32
    %dma_wait3A_266 = tpu.memref_slice %arg4[%dma_wait3A_264, %dma_wait3A_265] : memref<100000x128xf32, #tpu.memory_space<hbm>> -> memref<128x128xf32, #tpu.memory_space<hbm>>
    %dma_wait3A_267 = arith.constant 0 : i32
    %dma_wait3A_268 = arith.constant 0 : i32
    %dma_wait3A_269 = tpu.memref_slice %arg6[%dma_wait3A_253, %dma_wait3A_267, %dma_wait3A_268] : memref<7x128x128xf32, #tpu.memory_space<vmem>> -> memref<1x128x128xf32, #tpu.memory_space<vmem>>
    %dma_wait3A_270 = tpu.memref_squeeze %dma_wait3A_269 : memref<1x128x128xf32, #tpu.memory_space<vmem>> -> memref<128x128xf32, #tpu.memory_space<vmem>>
    tpu.wait_dma2 semaphore(%dma_wait3A_263 : memref<!tpu.dma_semaphore, #tpu.memory_space<semaphore_mem>>) src(%dma_wait3A_270 : memref<128x128xf32, #tpu.memory_space<vmem>>) dst(%dma_wait3A_266 : memref<128x128xf32, #tpu.memory_space<hbm>>)
    %dma_wait3A_271 = arith.constant 4 : i32
    %dma_wait3A_272 = arith.constant 4 : i32
    %dma_wait3A_273 = arith.constant 0 : i32
    %dma_wait3A_274 = arith.constant 0 : i32
    %dma_wait3A_275 = tpu.memref_slice %arg6[%dma_wait3A_271, %dma_wait3A_273, %dma_wait3A_274] : memref<7x128x128xf32, #tpu.memory_space<vmem>> -> memref<1x128x128xf32, #tpu.memory_space<vmem>>
    %dma_wait3A_276 = tpu.memref_squeeze %dma_wait3A_275 : memref<1x128x128xf32, #tpu.memory_space<vmem>> -> memref<128x128xf32, #tpu.memory_space<vmem>>
    %dma_wait3A_277 = arith.constant 0 : i32
    %dma_wait3A_278 = arith.constant 0 : i32
    %dma_wait3A_279 = tpu.memref_slice %arg4[%dma_wait3A_277, %dma_wait3A_278] : memref<100000x128xf32, #tpu.memory_space<hbm>> -> memref<128x128xf32, #tpu.memory_space<hbm>>
    %dma_wait3A_280 = tpu.memref_slice %arg9[%dma_wait3A_272] : memref<7x!tpu.dma_semaphore, #tpu.memory_space<semaphore_mem>> -> memref<1x!tpu.dma_semaphore, #tpu.memory_space<semaphore_mem>>
    %dma_wait3A_281 = tpu.memref_squeeze %dma_wait3A_280 : memref<1x!tpu.dma_semaphore, #tpu.memory_space<semaphore_mem>> -> memref<!tpu.dma_semaphore, #tpu.memory_space<semaphore_mem>>
    %dma_wait3A_282 = arith.constant 0 : i32
    %dma_wait3A_283 = arith.constant 0 : i32
    %dma_wait3A_284 = tpu.memref_slice %arg4[%dma_wait3A_282, %dma_wait3A_283] : memref<100000x128xf32, #tpu.memory_space<hbm>> -> memref<128x128xf32, #tpu.memory_space<hbm>>
    %dma_wait3A_285 = arith.constant 0 : i32
    %dma_wait3A_286 = arith.constant 0 : i32
    %dma_wait3A_287 = tpu.memref_slice %arg6[%dma_wait3A_271, %dma_wait3A_285, %dma_wait3A_286] : memref<7x128x128xf32, #tpu.memory_space<vmem>> -> memref<1x128x128xf32, #tpu.memory_space<vmem>>
    %dma_wait3A_288 = tpu.memref_squeeze %dma_wait3A_287 : memref<1x128x128xf32, #tpu.memory_space<vmem>> -> memref<128x128xf32, #tpu.memory_space<vmem>>
    tpu.wait_dma2 semaphore(%dma_wait3A_281 : memref<!tpu.dma_semaphore, #tpu.memory_space<semaphore_mem>>) src(%dma_wait3A_288 : memref<128x128xf32, #tpu.memory_space<vmem>>) dst(%dma_wait3A_284 : memref<128x128xf32, #tpu.memory_space<hbm>>)
    %dma_wait3A_289 = arith.constant 5 : i32
    %dma_wait3A_290 = arith.constant 5 : i32
    %dma_wait3A_291 = arith.constant 0 : i32
    %dma_wait3A_292 = arith.constant 0 : i32
    %dma_wait3A_293 = tpu.memref_slice %arg6[%dma_wait3A_289, %dma_wait3A_291, %dma_wait3A_292] : memref<7x128x128xf32, #tpu.memory_space<vmem>> -> memref<1x128x128xf32, #tpu.memory_space<vmem>>
    %dma_wait3A_294 = tpu.memref_squeeze %dma_wait3A_293 : memref<1x128x128xf32, #tpu.memory_space<vmem>> -> memref<128x128xf32, #tpu.memory_space<vmem>>
    %dma_wait3A_295 = arith.constant 0 : i32
    %dma_wait3A_296 = arith.constant 0 : i32
    %dma_wait3A_297 = tpu.memref_slice %arg4[%dma_wait3A_295, %dma_wait3A_296] : memref<100000x128xf32, #tpu.memory_space<hbm>> -> memref<128x128xf32, #tpu.memory_space<hbm>>
    %dma_wait3A_298 = tpu.memref_slice %arg9[%dma_wait3A_290] : memref<7x!tpu.dma_semaphore, #tpu.memory_space<semaphore_mem>> -> memref<1x!tpu.dma_semaphore, #tpu.memory_space<semaphore_mem>>
    %dma_wait3A_299 = tpu.memref_squeeze %dma_wait3A_298 : memref<1x!tpu.dma_semaphore, #tpu.memory_space<semaphore_mem>> -> memref<!tpu.dma_semaphore, #tpu.memory_space<semaphore_mem>>
    %dma_wait3A_300 = arith.constant 0 : i32
    %dma_wait3A_301 = arith.constant 0 : i32
    %dma_wait3A_302 = tpu.memref_slice %arg4[%dma_wait3A_300, %dma_wait3A_301] : memref<100000x128xf32, #tpu.memory_space<hbm>> -> memref<128x128xf32, #tpu.memory_space<hbm>>
    %dma_wait3A_303 = arith.constant 0 : i32
    %dma_wait3A_304 = arith.constant 0 : i32
    %dma_wait3A_305 = tpu.memref_slice %arg6[%dma_wait3A_289, %dma_wait3A_303, %dma_wait3A_304] : memref<7x128x128xf32, #tpu.memory_space<vmem>> -> memref<1x128x128xf32, #tpu.memory_space<vmem>>
    %dma_wait3A_306 = tpu.memref_squeeze %dma_wait3A_305 : memref<1x128x128xf32, #tpu.memory_space<vmem>> -> memref<128x128xf32, #tpu.memory_space<vmem>>
    tpu.wait_dma2 semaphore(%dma_wait3A_299 : memref<!tpu.dma_semaphore, #tpu.memory_space<semaphore_mem>>) src(%dma_wait3A_306 : memref<128x128xf32, #tpu.memory_space<vmem>>) dst(%dma_wait3A_302 : memref<128x128xf32, #tpu.memory_space<hbm>>)
    %dma_wait3A_307 = arith.constant 6 : i32
    %dma_wait3A_308 = arith.constant 6 : i32
    %dma_wait3A_309 = arith.constant 0 : i32
    %dma_wait3A_310 = arith.constant 0 : i32
    %dma_wait3A_311 = tpu.memref_slice %arg6[%dma_wait3A_307, %dma_wait3A_309, %dma_wait3A_310] : memref<7x128x128xf32, #tpu.memory_space<vmem>> -> memref<1x128x128xf32, #tpu.memory_space<vmem>>
    %dma_wait3A_312 = tpu.memref_squeeze %dma_wait3A_311 : memref<1x128x128xf32, #tpu.memory_space<vmem>> -> memref<128x128xf32, #tpu.memory_space<vmem>>
    %dma_wait3A_313 = arith.constant 0 : i32
    %dma_wait3A_314 = arith.constant 0 : i32
    %dma_wait3A_315 = tpu.memref_slice %arg4[%dma_wait3A_313, %dma_wait3A_314] : memref<100000x128xf32, #tpu.memory_space<hbm>> -> memref<128x128xf32, #tpu.memory_space<hbm>>
    %dma_wait3A_316 = tpu.memref_slice %arg9[%dma_wait3A_308] : memref<7x!tpu.dma_semaphore, #tpu.memory_space<semaphore_mem>> -> memref<1x!tpu.dma_semaphore, #tpu.memory_space<semaphore_mem>>
    %dma_wait3A_317 = tpu.memref_squeeze %dma_wait3A_316 : memref<1x!tpu.dma_semaphore, #tpu.memory_space<semaphore_mem>> -> memref<!tpu.dma_semaphore, #tpu.memory_space<semaphore_mem>>
    %dma_wait3A_318 = arith.constant 0 : i32
    %dma_wait3A_319 = arith.constant 0 : i32
    %dma_wait3A_320 = tpu.memref_slice %arg4[%dma_wait3A_318, %dma_wait3A_319] : memref<100000x128xf32, #tpu.memory_space<hbm>> -> memref<128x128xf32, #tpu.memory_space<hbm>>
    %dma_wait3A_321 = arith.constant 0 : i32
    %dma_wait3A_322 = arith.constant 0 : i32
    %dma_wait3A_323 = tpu.memref_slice %arg6[%dma_wait3A_307, %dma_wait3A_321, %dma_wait3A_322] : memref<7x128x128xf32, #tpu.memory_space<vmem>> -> memref<1x128x128xf32, #tpu.memory_space<vmem>>
    %dma_wait3A_324 = tpu.memref_squeeze %dma_wait3A_323 : memref<1x128x128xf32, #tpu.memory_space<vmem>> -> memref<128x128xf32, #tpu.memory_space<vmem>>
    tpu.wait_dma2 semaphore(%dma_wait3A_317 : memref<!tpu.dma_semaphore, #tpu.memory_space<semaphore_mem>>) src(%dma_wait3A_324 : memref<128x128xf32, #tpu.memory_space<vmem>>) dst(%dma_wait3A_320 : memref<128x128xf32, #tpu.memory_space<hbm>>)
    return
  }
}

</mosaic_0001>

<sc_bundles>
// kernel: kernel.3.cloned.1.call-start
scs
__scs_entry_jumppad:
0x0: {  	(pc) =	sbr.rel $0x88, $3  }
0x1: {  	(tag) =	ssettag $0x0;
	lr =	simm.s32 $0x1  }
0x2: {  	[smem:$0x3F9F] =	sst lr;
	_ =	strace $0xD0000000  }
0x3: {  	_ = 	snop  }
0x4: {  	_ = 	snop  }
0x5: {  	_ = 	snop  }
0x6: {  	_ = 	snop  }
0x7: {  	_ = 	snop  }
__scs_overlays_trampoline_lowered:
0x8: {  	[smem:$0x3FAE] =	sst s0  }
0x9: {  	[smem:$0x3FAF] =	sst s1  }
0xa: {  	[smem:$0x3FB0] =	sst s2  }
0xb: {  	[smem:$0x3FB1] =	sst s3  }
0xc: {  	[smem:$0x3FB2] =	sst s4  }
0xd: {  	[smem:$0x3FB3] =	sst s5  }
0xe: {  	[smem:$0x3FB4] =	sst s6  }
0xf: {  	[smem:$0x3FB5] =	sst s7  }
0x10: {  	[smem:$0x3FB6] =	sst s8  }
0x11: {  	[smem:$0x3FB7] =	sst s9;
	s0 =	simm.s32 @!p0 $0x0  }
0x12: {  	s1 =	sld [smem:$0x3F9D];
	s0 =	simm.s32 @p0 $0x1  }
0x13: {  	[smem:$0x3FB8] =	sst s0;
	s0 =	simm.s32 @!p1 $0x0  }
0x14: {  	s2 =	sld [smem:$0x3F9C];
	s0 =	simm.s32 @p1 $0x1  }
0x15: {  	[smem:$0x3FB9] =	sst s0;
	s0 =	simm.s32 @!p2 $0x0  }
0x16: {  	s3 =	sld [smem:$0x3FDB];
	s0 =	simm.s32 @p2 $0x1  }
0x17: {  	s4 =	simm.s32 $0x1BF5;
	[smem:$0x3FBB] =	sst s0  }
0x18: {  	s0 =	sld [smem:$0x3F9E];
	_ =	swait.ge [sflag:s4], $0x0  }
0x19: {  	s7 =	sld [smem:$0x3F9F]  }
0x1a: {  	s8 =	sadd.s32 $0xFFFFE003, lr  }
0x1b: {  	s9 =	sadd.s32 $0xFFFFFEF7, lr;
	s5 =	simm.s32 $0xFFFFFFFF;
	p2 =	slt.u32 s8, $0xFFFFF086  }
0x1c: {  	p1 =	slt.u32 s9, $0xF7A;
	s5 =	simm.s32 @!p2 $0x0  }
0x1d: {  	s5 =	simm.s32 @p1 $0x1;
	p0 =	seq.s32 s7, s2  }
0x1e: {  	s7 =	smul.u32 @!p0 $0xF7A, s2;
	p2 =	seq.s32 @!p0 s5, $0x0  }
0x1f: {  	s9 =	smul.u32 $0xF7A, s1;
	s8 =	simm.s32 @!p0 $0x1BF5;
	p2 =	por !p2, p0  }
0x20: {  	[sflag:s8] =	ssyncset.s32 @!p0 $0xFFFFF086;
	s6 =	sadd.s32 @!p0 s3, s7;
	s7 =	simm.s32 @!p0 $0x108  }
0x21: {  	s3 =	sadd.s32 s3, s9;
	s6 =	sadd.s32 @!p0 $0x88, s6;
	s7 =	simm.s32 @p2 $0x1082  }
0x22: {  	[simem:s7], [sflag:s8] =	dma.local @!p0 [hbm:s6], $0xF7A  }
0x23: {  	s9 =	sor.u32 $0xD0000000, s2;
	s6 =	simm.s32 $0x108;
	_ =	swait.ge @!p0 [sflag:s8], $0x0  }
0x24: {  	s3 =	sadd.s32 $0x88, s3;
	s6 =	simm.s32 @!p1 $0x1082;
	[sflag:s4] =	ssyncset.s32 $0xFFFFF086  }
0x25: {  	[simem:s6], [sflag:s4] =	dma.local [hbm:s3], $0xF7A  }
0x26: {  	[smem:$0x3F9F] =	sst s1;
	(tag) =	ssettag s2;
	_ =	strace s9  }
0x27: {  	s1 =	sld [smem:$0x3FAF]  }
0x28: {  	s2 =	sld [smem:$0x3FB0]  }
0x29: {  	s4 =	sld [smem:$0x3FB2]  }
0x2a: {  	p0 =	seq.s32 s5, $0x0;
	s5 =	sld [smem:$0x3FB3]  }
0x2b: {  	s6 =	sld [smem:$0x3FB4]  }
0x2c: {  	s7 =	sld [smem:$0x3FB5]  }
0x2d: {  	s3 =	simm.s32 $0x108;
	s8 =	sld [smem:$0x3FB6]  }
0x2e: {  	s3 =	simm.s32 @!p0 $0x1082;
	s9 =	sld [smem:$0x3FB7]  }
0x2f: {  	lr =	sadd.s32 s0, s3;
	s0 =	sld [smem:$0x3FAE]  }
0x30: {  	s3 =	sld [smem:$0x3FB1]  }
0x31: {  	[smem:$0x3FBA] =	sst s10  }
0x32: {  	s10 =	sld [smem:$0x3FB8];
	_ =	sdelay $0x3  }
0x33: {  	p0 =	seq.s32 s10, $0x1;
	s10 =	sld [smem:$0x3FBA];
	_ =	sdelay $0x3  }
0x34: {  	[smem:$0x3FBA] =	sst s10  }
0x35: {  	s10 =	sld [smem:$0x3FB9];
	_ =	sdelay $0x3  }
0x36: {  	p1 =	seq.s32 s10, $0x1;
	s10 =	sld [smem:$0x3FBA];
	_ =	sdelay $0x3  }
0x37: {  	[smem:$0x3FBA] =	sst s10  }
0x38: {  	s10 =	sld [smem:$0x3FBB]  }
0x39: {  	_ = 	snop;
	(pc) =	sbr.ind lr, $3  }
0x3a: {  	_ = 	snop  }
0x3b: {  	_ = 	snop  }
0x3c: {  	p2 =	seq.s32 s10, $0x1;
	s10 =	sld [smem:$0x3FBA]  }
0x3d: {  	_ =	shalt  }
0x3e: {  	_ =	shalt  }
0x3f: {  	_ =	shalt  }
0x40: {  	_ =	shalt  }
0x41: {  	_ =	shalt  }
0x42: {  	_ =	shalt  }
0x43: {  	_ =	shalt  }
0x44: {  	_ =	shalt  }
0x45: {  	_ =	shalt  }
0x46: {  	_ =	shalt  }
0x47: {  	_ =	shalt  }
0x48: {  	_ =	shalt  }
0x49: {  	_ =	shalt  }
0x4a: {  	_ =	shalt  }
0x4b: {  	_ =	shalt  }
0x4c: {  	_ =	shalt  }
0x4d: {  	_ =	shalt  }
0x4e: {  	_ =	shalt  }
0x4f: {  	_ =	shalt  }
0x50: {  	_ =	shalt  }
0x51: {  	_ =	shalt  }
0x52: {  	_ =	shalt  }
0x53: {  	_ =	shalt  }
0x54: {  	_ =	shalt  }
0x55: {  	_ =	shalt  }
0x56: {  	_ =	shalt  }
0x57: {  	_ =	shalt  }
0x58: {  	_ =	shalt  }
0x59: {  	_ =	shalt  }
0x5a: {  	_ =	shalt  }
0x5b: {  	_ =	shalt  }
0x5c: {  	_ =	shalt  }
0x5d: {  	_ =	shalt  }
0x5e: {  	_ =	shalt  }
0x5f: {  	_ =	shalt  }
0x60: {  	_ =	shalt  }
0x61: {  	_ =	shalt  }
0x62: {  	_ =	shalt  }
0x63: {  	_ =	shalt  }
0x64: {  	_ =	shalt  }
0x65: {  	_ =	shalt  }
0x66: {  	_ =	shalt  }
0x67: {  	_ =	shalt  }
0x68: {  	_ =	shalt  }
0x69: {  	_ =	shalt  }
0x6a: {  	_ =	shalt  }
0x6b: {  	_ =	shalt  }
0x6c: {  	_ =	shalt  }
0x6d: {  	_ =	shalt  }
0x6e: {  	_ =	shalt  }
0x6f: {  	_ =	shalt  }
0x70: {  	_ =	shalt  }
0x71: {  	_ =	shalt  }
0x72: {  	_ =	shalt  }
0x73: {  	_ =	shalt  }
0x74: {  	_ =	shalt  }
0x75: {  	_ =	shalt  }
0x76: {  	_ =	shalt  }
0x77: {  	_ =	shalt  }
0x78: {  	_ =	shalt  }
0x79: {  	_ =	shalt  }
0x7a: {  	_ =	shalt  }
0x7b: {  	_ =	shalt  }
0x7c: {  	_ =	shalt  }
0x7d: {  	_ =	shalt  }
0x7e: {  	_ =	shalt  }
0x7f: {  	_ =	shalt  }
0x80: {  	_ =	shalt  }
0x81: {  	_ =	shalt  }
0x82: {  	_ =	shalt  }
0x83: {  	_ =	shalt  }
0x84: {  	_ =	shalt  }
0x85: {  	_ =	shalt  }
0x86: {  	_ =	shalt  }
0x87: {  	_ =	shalt  }
.Lfunc_end0:
.L_simem_size_0:
called_computation_lowered:
.L_overlay_start_0:
0x88: {  	s2 =	sld [smem:$0x3FD9]  }
0x89: {  	s3 =	sld [smem:$0x3FFE];
	_ =	sdelay $0x1  }
0x8a: {  	s1 =	srdreg.scid  }
0x8b: {  	s0 =	sand.u32 $0x1, s1  }
0x8c: {  	s18 =	sshll.u32 s0, $0xA;
	s2 =	sadd.s32 s3, s2  }
0x8d: {  	s2 =	sadd.s32 s2, s18  }
0x8e: {  	[smem:$0x3FC6] =	sst s2  }
0x8f: {  	_ = 	snop  }
0x90: {  	s2 =	sld [smem:$0x3FC9]  }
0x91: {  	s19 =	sld [smem:$0x3FC8]  }
0x92: {  	s4 =	sld [smem:$0x3FD0];
	(tm) =	ssettm $0x1  }
0x93: {  	s5 =	sld [smem:$0x3FFB];
	_ =	sdelay $0x3  }
0x94: {  	_ =	strace s5  }
0x95: {  	s5 =	sld [smem:$0x3FFC];
	_ =	sdelay $0x3  }
0x96: {  	_ =	strace s5  }
0x97: {  	s5 =	sld [smem:$0x3FFD];
	_ =	sdelay $0x3  }
0x98: {  	_ =	strace s5  }
0x99: {  	_ =	strace $0x8FFFFFFF  }
0x9a: {  	s20 =	sld [smem:$0x3FDB];
	_ =	sdelay $0x1  }
0x9b: {  	s6 =	simm.s32 $_scs_section_size  }
0x9c: {  	s7 =	simm.s32 $_size__tile_overlayer_lowered;
	s8 =	simm.s32 $_tile_overlayer_lowered  }
0x9d: {  	s23 =	simm.s32 $0x1BFF;
	s22 =	sshll.u32 s8, $0x1;
	s5 =	sadd.s32 s6, s20  }
0x9e: {  	s9 =	simm.s32 $0x0;
	s21 =	sshll.u32 s7, $0x1;
	s7 =	sadd.s32 s22, s5  }
0x9f: {  	[timem:s9], [sflag:s23] =	dma.local [hbm:s7], s21  }
0xa0: {  	_ =	swait.ge [sflag:s23], s21  }
0xa1: {  	s6 =	ssub.s32 $0x0, s21;
	[sflag:s23] =	ssyncset.done $0x0  }
0xa2: {  	[sflag:s23] =	ssyncadd.s32 s6;
	_ =	sdelay $0x1  }
0xa3: {  	s24 =	simm.s32 $0x1B8B  }
0xa4: {  	_ =	swait.ge [sflag:s24], $0x1  }
0xa5: {  	[sflag:s24] =	ssyncset.done $0x0  }
0xa6: {  	s25 =	simm.s32 $0x1B8E;
	[sflag:s24] =	ssyncadd.s32 $0xFFFFFFFF  }
0xa7: {  	s26 =	simm.s32 $execute0_lowered;
	[smem:$0x3FD2] =	sst s25  }
0xa8: {  	s6 =	sshll.u32 s26, $0x1;
	_ =	strace $0x80000046;
	[dreg:$0x1] =	wrdreg $0xFFFFFFFF  }
0xa9: {  	s28 =	simm.s32 $_size_execute0_lowered;
	s5 =	sadd.s32 s5, s6;
	[dreg:$0x0] =	wrdreg $0x0  }
0xaa: {  	s6 =	sshll.u32 s28, $0x1;
	[dreg:$0x2] =	wrdreg s5  }
0xab: {  	[dreg:$0x3] =	wrdreg s6  }
0xac: {  	[dreg:$0x4] =	wrdreg $0xC0  }
0xad: {  	_ =	task [dreg:s9], $0x5FFFF  }
0xae: {  	[dreg:$0x1] =	wrdreg $0xFFFFFFFF  }
0xaf: {  	[dreg:$0x0] =	wrdreg $0x60  }
0xb0: {  	[dreg:$0x2] =	wrdreg s2  }
0xb1: {  	[dreg:$0x3] =	wrdreg s19  }
0xb2: {  	[dreg:$0x4] =	wrdreg s4  }
0xb3: {  	[dreg:$0x5] =	wrdreg $0x9  }
0xb4: {  	_ =	task.clear_ibuf [dreg:s9], $0x6FFFF;
	_ =	strace $0x90000046  }
0xb5: {  	s29 =	simm.s32 $0x9;
	_ =	strace $0x80000048  }
0xb6: {  	_ =	swait.ge [sflag:s29], $0x1  }
0xb7: {  	[sflag:s29] =	ssyncadd.s32 $0xFFFFFFFF  }
0xb8: {  	_ =	strace $0x90000048  }
0xb9: {  	_ =	sfence  }
0xba: {  	s30 =	sld [smem:$0x0];
	_ =	sdelay $0x2  }
0xbb: {  	s31 =	sshll.u32 s1, $0xD;
	s1 =	sshrl.u32 s1, $0x2  }
0xbc: {  	s3 =	sand.u32 $0x4000, s31;
	s1 =	sadd.s32 s1, s30  }
0xbd: {  	s0 =	sor.u32 s3, s0;
	s1 =	sshll.u32 s1, $0x11  }
0xbe: {  	s0 =	sor.u32 s1, s0  }
0xbf: {  	s0 =	sadd.s32 $0x8F2B, s0  }
0xc0: {  	[sflag:s0] =	ssyncadd.remote.s32 $0x1  }
0xc1: {  	_ =	sfence.sel $0xFFFF  }
0xc2: {  	[dreg:$0x0] =	wrdreg $0xFFFFFFFF;
	(pc) =	sbr.abs _section_cstart, $3  }
0xc3: {  	[dreg:$0x1] =	wrdreg $0xFFFFFFFF  }
0xc4: {  	_ =	task.clear_ibuf [dreg:s9], $0x2FFFF;
	_ =	strace $0x9FFFFFFF  }
0xc5: {  	(tm) =	ssettm $0x7FFFFFFF  }
tec
execute0_lowered:
.L_overlay_start_1:
0x0: {  	(tag) =	ssettag $0x1  }
0x1: {  	s1 =	rddreg [dreg:$0x0]  }
0x2: {  	s0 =	rddreg [dreg:$0x2]  }
0x3: {  	s3 =	srdreg.scid;
	s8 =	stileid.u32;
	s4 =	simm.s32 $0x0  }
0x4: {  	s21 =	sand.u32 $0x1, s3;
	s22 =	sshll.u32 s8, $0x1;
	s8 =	smul.u32 $0x61C, s8  }
0x5: {  	[dreg:$0x4] =	wrdreg s0;
	s3 =	sor.u32 s21, s22;
	s0 =	smul.u32 $0x30E, s21  }
0x6: {  	[smem:$0x7FF] =	sst s4;
	s5 =	ssub.s32 $0x2, s21;
	s3 =	smul.u32 $0x30E, s3  }
0x7: {  	s2 =	rddreg [dreg:$0x1];
	_ =	strace $0x80000047;
	s6 =	sshrl.u32 s5, $0x1  }
0x8: {  	s6 =	ssub.s32 s5, s6;
	s0 =	sadd.s32 s0, s8;
	s7 =	sadd.s32 $0x30E, s3  }
0x9: {  	s3 =	sshrl.u32 s3, $0x5;
	s6 =	smax.u32 s6, $0x1;
	s0 =	sshll.u32 s0, $0x2  }
0xa: {  	s7 =	sshrl.u32 s7, $0x5;
	[dreg:$0x5] =	wrdreg s6;
	s12 =	sand.u32 $0x3FF80, s0  }
0xb: {  	s5 =	ssub.s32 s7, s3;
	s3 =	sshll.u32 s3, $0x4;
	s31 =	sadd.s32 $0x380, s12  }
0xc: {  	s3 =	sadd.s32 s1, s3;
	[dreg:$0xd] =	wrdreg s31  }
0xd: {  	s16 =	simm.s32 $0x80;
	s23 =	sadd.s32 $0x10, s3;
	[dreg:$0x6] =	wrdreg s3  }
0xe: {  	s28 =	simm.s32 $0x0;
	s24 =	sadd.s32 $0x20, s3;
	[dreg:$0x7] =	wrdreg s23  }
0xf: {  	s22 =	simm.s32 $0x1;
	s25 =	sadd.s32 $0x30, s3;
	[dreg:$0x8] =	wrdreg s24  }
.Ltmp0:
0x10: {  	s26 =	sadd.s32 $0x40, s3;
	[dreg:$0x9] =	wrdreg s25;
	(pc) =	sbr.rel .LBB2_1-.Ltmp0, $4  }
0x11: {  	s0 =	simm.s32 $0xB;
	s29 =	sadd.s32 $0x50, s3;
	[dreg:$0xa] =	wrdreg s26  }
0x12: {  	p0 =	slt.s32 s5, $0x8;
	s30 =	sadd.s32 $0x60, s3;
	[dreg:$0xb] =	wrdreg s29  }
0x13: {  	p1 =	sgt.s32 s5, $0x0;
	[dreg:$0xc] =	wrdreg s30;
	s23 =	simm.s32 $0xC  }
0x14: {  	s24 =	simm.s32 $0xD;
	s25 =	simm.s32 $0xE;
	s26 =	simm.s32 $0xF  }
.LBB2_9:
0x15: {  	[sflag:s18] =	ssyncset.done @!p3 $0x0  }
0x16: {  	[sflag:s18] =	ssyncadd.s32 @!p3 $0xFFFFC000  }
0x17: {  	[tilespmem:s19], [sflag:s14] =	stream.indirect.gather @!p3 [hbm4b:s2+s20], $0x80, s29, s20, $0xb8;
	[tilespmem:$0x1D000] =	vst v63  }
.LBB2_10:
0x18: {  	s3 =	simm.s32 $0x9  }
0x19: {  	_ =	swait.ge [sflag:s3], $0x4000  }
0x1a: {  	[sflag:s3] =	ssyncset.done $0x0  }
0x1b: {  	s30 =	simm.s32 $0xA;
	[sflag:s3] =	ssyncadd.s32 $0xFFFFC000  }
0x1c: {  	_ =	swait.ge [sflag:s30], $0x4000  }
0x1d: {  	[sflag:s30] =	ssyncset.done $0x0  }
0x1e: {  	[sflag:s30] =	ssyncadd.s32 $0xFFFFC000  }
0x1f: {  	_ =	swait.ge [sflag:s0], $0x4000  }
0x20: {  	[sflag:s0] =	ssyncset.done $0x0  }
0x21: {  	[sflag:s0] =	ssyncadd.s32 $0xFFFFC000  }
0x22: {  	_ =	swait.ge [sflag:s23], $0x4000  }
0x23: {  	[sflag:s23] =	ssyncset.done $0x0  }
0x24: {  	[sflag:s23] =	ssyncadd.s32 $0xFFFFC000  }
0x25: {  	_ =	swait.ge [sflag:s24], $0x4000  }
0x26: {  	[sflag:s24] =	ssyncset.done $0x0  }
0x27: {  	[sflag:s24] =	ssyncadd.s32 $0xFFFFC000  }
0x28: {  	_ =	swait.ge [sflag:s25], $0x4000  }
0x29: {  	[sflag:s25] =	ssyncset.done $0x0  }
0x2a: {  	[sflag:s25] =	ssyncadd.s32 $0xFFFFC000  }
0x2b: {  	_ =	swait.ge [sflag:s26], $0x4000  }
0x2c: {  	s28 =	sadd.s32 $0x1, s28;
	s31 =	rddreg [dreg:$0x5]  }
0x2d: {  	p2 =	sne.s32 s28, s31  }
.Ltmp1:
0x2e: {  	_ = 	snop;
	(pc) =	sbr.rel @!p2 .LBB2_11-.Ltmp1, $3  }
0x2f: {  	_ =	sdelay $0x1  }
0x30: {  	[sflag:s26] =	ssyncset.done $0x0  }
0x31: {  	[sflag:s26] =	ssyncadd.s32 $0xFFFFC000  }
.LBB2_1:
0x32: {  	s3 =	rddreg [dreg:$0x6]  }
0x33: {  	[tilespmem:s4], [sflag:$0x1] =	stream.linear.gather [hbm4b:s3+s4], $0x80, $0x38;
	[tilespmem:$0x1D000] =	vst v63  }
0x34: {  	s10 =	rddreg [dreg:$0x7]  }
0x35: {  	[tilespmem:s16], [sflag:$0x1] =	stream.linear.gather [hbm4b:s10+s4], $0x80, $0x38;
	[tilespmem:$0x1D000] =	vst v63  }
0x36: {  	s11 =	rddreg [dreg:$0x8];
	s6 =	simm.s32 $0x100  }
0x37: {  	[tilespmem:s6], [sflag:$0x1] =	stream.linear.gather [hbm4b:s11+s4], $0x80, $0x38;
	[tilespmem:$0x1D000] =	vst v63  }
0x38: {  	s13 =	rddreg [dreg:$0x9];
	s7 =	simm.s32 $0x180  }
0x39: {  	[tilespmem:s7], [sflag:$0x1] =	stream.linear.gather [hbm4b:s13+s4], $0x80, $0x38;
	[tilespmem:$0x1D000] =	vst v63  }
0x3a: {  	s14 =	rddreg [dreg:$0xa];
	s8 =	simm.s32 $0x200  }
0x3b: {  	[tilespmem:s8], [sflag:$0x1] =	stream.linear.gather [hbm4b:s14+s4], $0x80, $0x38;
	[tilespmem:$0x1D000] =	vst v63  }
0x3c: {  	s15 =	rddreg [dreg:$0xb];
	s9 =	simm.s32 $0x280  }
0x3d: {  	[tilespmem:s9], [sflag:$0x1] =	stream.linear.gather [hbm4b:s15+s4], $0x80, $0x38;
	[tilespmem:$0x1D000] =	vst v63  }
0x3e: {  	s17 =	rddreg [dreg:$0xc];
	s10 =	simm.s32 $0x300  }
0x3f: {  	[tilespmem:s10], [sflag:$0x1] =	stream.linear.gather [hbm4b:s17+s4], $0x80, $0x38;
	[tilespmem:$0x1D000] =	vst v63  }
0x40: {  	_ =	swait.ge [sflag:s22], $0x80  }
0x41: {  	[sflag:s22] =	ssyncset.done $0x0  }
0x42: {  	[sflag:s22] =	ssyncadd.s32 $0xFFFFFF80  }
0x43: {  	_ =	swait.ge [sflag:s22], $0x80  }
0x44: {  	[sflag:s22] =	ssyncset.done $0x0  }
0x45: {  	[sflag:s22] =	ssyncadd.s32 $0xFFFFFF80  }
0x46: {  	_ =	swait.ge [sflag:s22], $0x80  }
0x47: {  	[sflag:s22] =	ssyncset.done $0x0  }
0x48: {  	[sflag:s22] =	ssyncadd.s32 $0xFFFFFF80  }
0x49: {  	_ =	swait.ge [sflag:s22], $0x80  }
0x4a: {  	[sflag:s22] =	ssyncset.done $0x0  }
0x4b: {  	[sflag:s22] =	ssyncadd.s32 $0xFFFFFF80  }
0x4c: {  	_ =	swait.ge [sflag:s22], $0x80  }
0x4d: {  	[sflag:s22] =	ssyncset.done $0x0  }
0x4e: {  	[sflag:s22] =	ssyncadd.s32 $0xFFFFFF80  }
0x4f: {  	_ =	swait.ge [sflag:s22], $0x80  }
0x50: {  	[sflag:s22] =	ssyncset.done $0x0  }
0x51: {  	[sflag:s22] =	ssyncadd.s32 $0xFFFFFF80  }
0x52: {  	_ =	swait.ge [sflag:s22], $0x80  }
0x53: {  	[sflag:s22] =	ssyncset.done $0x0  }
0x54: {  	s18 =	simm.s32 $0x1000;
	[sflag:s22] =	ssyncadd.s32 $0xFFFFFF80  }
0x55: {  	[tilespmem:s18], [sflag:$0x2] =	stream.indirect.gather [hbm4b:s2+s16], $0x80, s4, s16, $0xb8;
	[tilespmem:$0x1D000] =	vst v63  }
0x56: {  	s19 =	simm.s32 $0x5000  }
0x57: {  	[tilespmem:s19], [sflag:$0x3] =	stream.indirect.gather [hbm4b:s2+s16], $0x80, s16, s16, $0xb8;
	[tilespmem:$0x1D000] =	vst v63  }
0x58: {  	s20 =	simm.s32 $0x9000  }
0x59: {  	[tilespmem:s20], [sflag:$0x4] =	stream.indirect.gather [hbm4b:s2+s16], $0x80, s6, s16, $0xb8;
	[tilespmem:$0x1D000] =	vst v63  }
0x5a: {  	s21 =	simm.s32 $0xD000  }
0x5b: {  	[tilespmem:s21], [sflag:$0x5] =	stream.indirect.gather [hbm4b:s2+s16], $0x80, s7, s16, $0xb8;
	[tilespmem:$0x1D000] =	vst v63  }
0x5c: {  	s29 =	simm.s32 $0x11000  }
0x5d: {  	[tilespmem:s29], [sflag:$0x6] =	stream.indirect.gather [hbm4b:s2+s16], $0x80, s8, s16, $0xb8;
	[tilespmem:$0x1D000] =	vst v63  }
.Ltmp2:
0x5e: {  	_ = 	snop;
	(pc) =	sbr.rel @p0 .LBB2_12-.Ltmp2, $4  }
0x5f: {  	s30 =	simm.s32 $0x15000  }
0x60: {  	[tilespmem:s30], [sflag:$0x7] =	stream.indirect.gather [hbm4b:s2+s16], $0x80, s9, s16, $0xb8;
	[tilespmem:$0x1D000] =	vst v63  }
0x61: {  	s31 =	simm.s32 $0x19000;
	s6 =	simm.s32 $0x380  }
0x62: {  	[tilespmem:s31], [sflag:$0x8] =	stream.indirect.gather [hbm4b:s2+s16], $0x80, s10, s16, $0xb8;
	[tilespmem:$0x1D000] =	vst v63  }
0x63: {  	s3 =	rddreg [dreg:$0xd]  }
0x64: {  	p2 =	slt.s32 s3, $0x18620;
	s9 =	smov.u32 s3  }
0x65: {  	s9 =	simm.s32 @!p2 $0x18620;
	p2 =	sgt.s32 s5, $0x8  }
.Ltmp3:
0x66: {  	_ = 	snop;
	(pc) =	sbr.rel @!p2 .LBB2_4-.Ltmp3, $3  }
0x67: {  	_ =	sdelay $0x1  }
0x68: {  	s8 =	simm.s32 $0x8;
	s9 =	sshrl.u32 s9, $0x3  }
0x69: {  	s10 =	sadd.s32 $0x80, s3;
	s11 =	sadd.s32 s1, s9;
	s9 =	simm.s32 $0x400  }
.LBB2_3:
0x6a: {  	[tilespmem:s6], [sflag:$0x1] =	stream.linear.gather [hbm4b:s11+s4], $0x80, $0x38;
	[tilespmem:$0x1D000] =	vst v63  }
0x6b: {  	s8 =	sadd.s32 $0x1, s8  }
0x6c: {  	p3 =	slt.s32 s8, s5  }
.Ltmp4:
0x6d: {  	s6 =	smov.u32 s9;
	(pc) =	sbr.rel @p3 .LBB2_3-.Ltmp4, $4  }
0x6e: {  	p2 =	slt.s32 s10, $0x18620;
	s11 =	smov.u32 s10  }
0x6f: {  	s11 =	simm.s32 @!p2 $0x18620  }
0x70: {  	s11 =	sshrl.u32 s11, $0x3  }
0x71: {  	s9 =	sadd.s32 $0x80, s9;
	s10 =	sadd.s32 $0x80, s10;
	s11 =	sadd.s32 s1, s11  }
.LBB2_4:
0x72: {  	p2 =	sgt.s32 s5, $0x8  }
.Ltmp5:
0x73: {  	_ = 	snop;
	(pc) =	sbr.rel @!p2 .LBB2_6-.Ltmp5, $4  }
0x74: {  	_ = 	snop  }
0x75: {  	[tilespmem:s6], [sflag:$0x1] =	stream.linear.gather [hbm4b:s11+s4], $0x80, $0x38;
	[tilespmem:$0x1D000] =	vst v63  }
0x76: {  	_ =	swait.ge [sflag:s22], $0x80  }
0x77: {  	s6 =	simm.s32 $0x8;
	[sflag:s22] =	ssyncset.done $0x0  }
.LBB2_5:
0x78: {  	s6 =	sadd.s32 $0x1, s6  }
0x79: {  	[sflag:s22] =	ssyncadd.s32 $0xFFFFFF80;
	p2 =	slt.s32 s6, s5  }
.Ltmp6:
0x7a: {  	(pc) =	sbr.rel @p2 .LBB2_5-.Ltmp6, $3  }
0x7b: {  	_ =	sdelay $0x1  }
0x7c: {  	_ =	swait.ge [sflag:s22], $0x80  }
0x7d: {  	[sflag:s22] =	ssyncset.done $0x0  }
.LBB2_6:
.Ltmp7:
0x7e: {  	(pc) =	sbr.rel .LBB2_7-.Ltmp7, $2  }
0x7f: {  	_ =	sdelay $0x2  }
0x80: {  	[sflag:s22] =	ssyncadd.s32 $0xFFFFFF80  }
.LBB2_12:
.Ltmp8:
0x81: {  	(pc) =	sbr.rel @!p1 .LBB2_10-.Ltmp8, $1  }
0x82: {  	_ =	sdelay $0x3  }
.LBB2_7:
0x83: {  	s6 =	simm.s32 $0x0;
	s9 =	simm.s32 $0xFFFFFFFF  }
0x84: {  	s29 =	simm.s32 $0x300;
	s30 =	simm.s32 $0x1;
	s6 =	smulhi.u32 $0x24924925, s6  }
0x85: {  	p2 =	sgt.s32 s5, $0x1;
	s10 =	simm.s32 $0x1000;
	p3 =	slt.s32 s12, $0x18620  }
0x86: {  	s18 =	smov.u32 s12;
	s11 =	smulhi.u32 $0x24924925, s9;
	s8 =	ssub.s32 $0x0, s6  }
0x87: {  	s9 =	sadd.s32 $0x80, s12;
	s18 =	simm.s32 @!p3 $0x18620;
	s8 =	sshrl.u32 s8, $0x1  }
0x88: {  	p3 =	por $0x1, $0x1;
	s17 =	ssub.s32 $0xFFFFFFFF, s11;
	s8 =	sadd.s32 s6, s8  }
0x89: {  	s18 =	sshll.u32 s18, $0x4;
	s17 =	sshrl.u32 s17, $0x1;
	s13 =	sshrl.u32 s8, $0x2  }
0x8a: {  	p4 =	sle.s32 @!p3 s5, $0x6;
	s11 =	sadd.s32 s11, s17;
	s14 =	smul.u32 $0xFFFFFFE4, s13  }
0x8b: {  	p3 =	por p4, p3;
	s17 =	sshrl.u32 s11, $0x2;
	s13 =	smul.u32 $0xFFF90000, s13  }
0x8c: {  	s6 =	simm.s32 $0x5000;
	s31 =	smul.u32 $0xFFFFFFE4, s17;
	s14 =	sshra.s32 s14, $0x2  }
0x8d: {  	s8 =	simm.s32 $0x380;
	s17 =	smul.u32 $0xFFF90000, s17;
	s14 =	sadd.s32 $0x0, s14  }
0x8e: {  	s11 =	simm.s32 $0x4;
	s13 =	sshra.s32 s13, $0x2;
	s21 =	sadd.s32 $0x2, s14  }
0x8f: {  	s17 =	sshra.s32 s17, $0x2;
	s19 =	sadd.s32 $0x1000, s13;
	_ =	swait.ge [sflag:s21], $0x4000  }
0x90: {  	s13 =	simm.s32 $0x0;
	[sflag:s21] =	ssyncset.done $0x0;
	s20 =	rddreg [dreg:$0x4]  }
.Ltmp9:
0x91: {  	[sflag:s21] =	ssyncadd.s32 $0xFFFFC000;
	s21 =	sshra.s32 s31, $0x2;
	(pc) =	sbr.rel @!p2 .LBB2_9-.Ltmp9, $4  }
0x92: {  	s14 =	sadd.s32 $0x9, s14;
	s18 =	sadd.s32 s20, s18;
	s20 =	sadd.s32 $0x8, s21  }
0x93: {  	[hbm4b:s18+s4] =	stream.linear.scatter [tilespmem:s19], [sflag:s14], $0x4000, $0x38;
	[tilespmem:$0x1D000] =	vst v63  }
0x94: {  	s21 =	sadd.s32 $0x1, s21;
	s19 =	sadd.s32 $0xFFFFD000, s17;
	s18 =	sadd.s32 @!p3 $0x0, s20  }
0x95: {  	s14 =	sadd.s32 @!p3 $0x0, s21;
	s20 =	simm.s32 @!p3 $0x80;
	_ =	swait.ge @!p3 [sflag:s18], $0x4000  }
.LBB2_8:
0x96: {  	s21 =	smulhi.u32 $0x24924925, s30;
	[sflag:s18] =	ssyncset.done @!p3 $0x0;
	s7 =	smov.u32 s30  }
0x97: {  	s30 =	sadd.s32 $0x1, s30;
	s15 =	smov.u32 s6;
	s31 =	smov.u32 s9  }
0x98: {  	s17 =	smov.u32 s10;
	s6 =	sadd.s32 $0x4000, s6;
	s9 =	sadd.s32 $0x80, s9  }
0x99: {  	s10 =	sadd.s32 $0x4000, s10;
	p2 =	slt.s32 s30, s5;
	[sflag:s18] =	ssyncadd.s32 @!p3 $0xFFFFC000  }
0x9a: {  	[tilespmem:s19], [sflag:s14] =	stream.indirect.gather @!p3 [hbm4b:s2+s20], $0x80, s29, s20, $0xb8;
	[tilespmem:$0x1D000] =	vst v63  }
0x9b: {  	s18 =	smov.u32 s11;
	s3 =	ssub.s32 s7, s21;
	s29 =	smov.u32 s8  }
0x9c: {  	s8 =	sadd.s32 $0x80, s8;
	s19 =	smulhi.u32 $0x24924925, s13;
	s14 =	sshrl.u32 s3, $0x1  }
0x9d: {  	s7 =	sadd.s32 $0x6, s7;
	p3 =	slt.s32 s31, $0x18620;
	s14 =	sadd.s32 s21, s14  }
0x9e: {  	s31 =	simm.s32 @!p3 $0x18620;
	p3 =	seq.s32 s11, $0x0;
	s14 =	sshrl.u32 s14, $0x2  }
0x9f: {  	s21 =	sshra.s32 s11, $0x2;
	s3 =	ssub.s32 s13, s19;
	s20 =	smul.u32 $0xFFFFFFE4, s14  }
0xa0: {  	p4 =	sge.s32 @!p3 s7, s5;
	s3 =	sshrl.u32 s3, $0x1;
	s14 =	smul.u32 $0xFFF90000, s14  }
0xa1: {  	s11 =	sadd.s32 $0x4, s11;
	s3 =	sadd.s32 s19, s3;
	s20 =	sshra.s32 s20, $0x2  }
0xa2: {  	s3 =	sshrl.u32 s3, $0x2;
	s14 =	sshra.s32 s14, $0x2;
	s19 =	sadd.s32 s21, s20  }
0xa3: {  	s14 =	sadd.s32 s14, s15;
	s21 =	smul.u32 $0xFFFFFFE4, s3;
	s15 =	sadd.s32 $0x2, s19  }
0xa4: {  	s13 =	sadd.s32 $0x1, s13;
	s3 =	smul.u32 $0xFFF90000, s3;
	_ =	swait.ge [sflag:s15], $0x4000  }
0xa5: {  	p3 =	por p4, p3;
	s20 =	sshll.u32 s31, $0x4;
	[sflag:s15] =	ssyncset.done $0x0  }
0xa6: {  	s3 =	sshra.s32 s3, $0x2;
	s31 =	rddreg [dreg:$0x4];
	[sflag:s15] =	ssyncadd.s32 $0xFFFFC000  }
.Ltmp10:
0xa7: {  	s15 =	sshra.s32 s21, $0x2;
	s21 =	sadd.s32 $0x9, s19;
	(pc) =	sbr.rel @p2 .LBB2_8-.Ltmp10, $4  }
0xa8: {  	s31 =	sadd.s32 s31, s20;
	s20 =	sshra.s32 @!p3 s18, $0x2;
	s18 =	sadd.s32 $0x8, s15  }
0xa9: {  	[hbm4b:s31+s4] =	stream.linear.scatter [tilespmem:s14], [sflag:s21], $0x4000, $0x38;
	[tilespmem:$0x1D000] =	vst v63  }
0xaa: {  	s19 =	sadd.s32 s3, s17;
	s7 =	sadd.s32 $0x1, s15;
	s18 =	sadd.s32 @!p3 s20, s18  }
0xab: {  	s14 =	sadd.s32 @!p3 s20, s7;
	s20 =	simm.s32 @!p3 $0x80;
	_ =	swait.ge @!p3 [sflag:s18], $0x4000  }
.Ltmp11:
0xac: {  	_ = 	snop;
	(pc) =	sbr.rel .LBB2_9-.Ltmp11, $1  }
0xad: {  	_ =	sdelay $0x3  }
.LBB2_11:
0xae: {  	_ =	sfence.sel $0x180000  }
0xaf: {  	[bflag:$0x0] =	sbarrier.arrive $0xFFFF  }
0xb0: {  	_ =	strace $0x90000047  }
0xb1: {  	s0 =	stileid.u32;
	[bflag:$0x2] =	sbarrier.arrive $0xFFFF  }
0xb2: {  	p0 =	sne.s32 s0, $0x0;
	s0 =	rddreg [dreg:$0x3]  }
0xb3: {  	s0 =	sadd.s32 @!p0 $0x100000, s0  }
0xb4: {  	[sflag:s0] =	ssyncadd.tile.s32 @!p0 $0x1;
	_ =	shalt  }
.Lfunc_end2:
_tile_overlayer_lowered:
.L_overlay_start_2:
0xb5: {  	(tag) =	ssettag $0x2  }
0xb6: {  	s0 =	rddreg [dreg:$0x0];
	s2 =	stileid.u32  }
0xb7: {  	s1 =	rddreg [dreg:$0x1];
	p0 =	sne.s32 s2, $0x0  }
0xb8: {  	s3 =	rddreg [dreg:$0x2];
	[bflag:$0x3] =	sbarrier.arrive $0xFFFF;
	s2 =	simm.s32 @!p0 $0x1C10  }
0xb9: {  	[timem:s3], [sflag:s2] =	dma.local @!p0 [hbm:s0], s1  }
0xba: {  	s0 =	simm.s32 @!p0 $0x10  }
0xbb: {  	_ =	swait.ge @!p0 [sflag:s0], s1  }
0xbc: {  	s1 =	ssub.s32 @!p0 $0x0, s1;
	[sflag:s0] =	ssyncset.done @!p0 $0x0  }
0xbd: {  	[sflag:s0] =	ssyncadd.s32 @!p0 s1  }
0xbe: {  	[bflag:$0x3] =	sbarrier.arrive $0xFFFF  }
0xbf: {  	_ =	shalt  }

</sc_bundles>
